<compile_context>
chip_gen: v7x
topology: tpu7x:2x2x1
jax: 0.10.2.dev20260603
libtpu: 0.0.44.dev20260713+nightly
codegen_flags: <defaults>
</compile_context>

<pallas_src>
import functools

import jax
import jax.numpy as jnp
from jax import lax
from jax.experimental import pallas as pl
from jax.experimental.pallas import tpu as pltpu
from jax.experimental.pallas import tpu_sc as plsc

NUM_EMB = 1000000
DIM = 32
BATCH = 16384
HIST = 50
B = BATCH * HIST

NC, NS = 2, 16
NW = NC * NS
B_PER_W = B // NW
SLICE = 128
K = 10
CHUNK = SLICE * K
G = B_PER_W // CHUNK


def _fire_gathers(table_hbm, idx_v, rows_v, sem):
    return [
        pltpu.async_copy(
            table_hbm.at[idx_v.at[pl.ds(j * SLICE, SLICE)]],
            rows_v.at[pl.ds(j * SLICE, SLICE)],
            sem,
        )
        for j in range(K)
    ]


def _emb_body(table_hbm, idx_hbm, out_hbm, idx0, idx1, rows0, rows1, sem0, sem1):
    wid = lax.axis_index("s") * NC + lax.axis_index("c")
    base = wid * B_PER_W
    idx_v = (idx0, idx1)
    rows_v = (rows0, rows1)
    sems = (sem0, sem1)

    pltpu.sync_copy(idx_hbm.at[pl.ds(base, CHUNK)], idx0)
    _fire_gathers(table_hbm, idx0, rows0, sem0)

    @pl.loop(0, G, step=2)
    def _chunk(g):
        for b in range(2):
            gg = g + b
            nb = 1 - b
            @pl.when(gg + 1 < G)
            def _prefetch():
                pltpu.sync_copy(
                    idx_hbm.at[pl.ds(base + (gg + 1) * CHUNK, CHUNK)], idx_v[nb]
                )
                _fire_gathers(table_hbm, idx_v[nb], rows_v[nb], sems[nb])

            for j in range(K):
                pltpu.make_async_copy(
                    table_hbm.at[idx_v[b].at[pl.ds(j * SLICE, SLICE)]],
                    rows_v[b].at[pl.ds(j * SLICE, SLICE)],
                    sems[b],
                ).wait()
            pltpu.sync_copy(rows_v[b], out_hbm.at[pl.ds(base + gg * CHUNK, CHUNK)])


@jax.jit
def _emb_lookup(weight, idx_flat):
    mesh = plsc.VectorSubcoreMesh(core_axis_name="c", subcore_axis_name="s")
    return pl.kernel(
        _emb_body,
        out_type=jax.ShapeDtypeStruct((B, DIM), jnp.float32),
        mesh=mesh,
        scratch_types=[
            pltpu.VMEM((CHUNK,), jnp.int32),
            pltpu.VMEM((CHUNK,), jnp.int32),
            pltpu.VMEM((CHUNK, DIM), jnp.float32),
            pltpu.VMEM((CHUNK, DIM), jnp.float32),
            pltpu.SemaphoreType.DMA,
            pltpu.SemaphoreType.DMA,
        ],
        compiler_params=pltpu.CompilerParams(use_tc_tiling_on_sc=False),
    )(weight, idx_flat)


def kernel(weight, indices):
    idx_flat = indices.reshape(-1).astype(jnp.int32)
    wlin = jax.lax.optimization_barrier(weight.reshape(NUM_EMB // 4, DIM * 4))
    table = wlin.reshape(NUM_EMB, DIM)
    out = _emb_lookup(table, idx_flat)
    outp = jax.lax.optimization_barrier(out.reshape(B // 4, DIM * 4))
    return outp.reshape(BATCH, HIST, DIM)

# --- scband reference (transcript-rebuilt; emitter-appended) ---
"""Pipeline reference for scband-liger-embedding-7945689497846 (READ-ONLY COPY).

The authoritative reference and input builder live on the scoring server;
editing this copy changes nothing except your own understanding.
"""

import jax, jax.numpy as jnp
import numpy as np

NUM_EMBEDDINGS = 1000000
EMBEDDING_DIM = 32
BATCH = 16384
HIST = 50

def setup_inputs(seed: int = 0) -> dict:
    key = jax.random.key(seed)
    k_idx, k_w = jax.random.split(key)
    indices = jax.random.randint(k_idx, (BATCH, HIST), 0, NUM_EMBEDDINGS, dtype=jnp.int64 if jax.config.jax_enable_x64 else jnp.int32)
    weight = jax.random.normal(k_w, (NUM_EMBEDDINGS, EMBEDDING_DIM), dtype=jnp.float32)
    return {"weight": weight, "indices": indices}

def reference(weight, indices):
    # Faithful to LigerEmbedding.forward with padding_idx=None:
    # embedded = weight[indices]
    embedded = jnp.take(weight, indices, axis=0)
    return embedded

if __name__ == "__main__":
    import jax
    _d = setup_inputs()
    print(jax.jit(kernel)(*tuple(_d.values())))

</pallas_src>

<mosaic_0001>
#map = affine_map<(d0, d1) -> (0, 0)>
#map1 = affine_map<(d0, d1) -> (0)>
module attributes {stable_mosaic.version = 14 : i64} {
  func.func @_emb_body(%arg0: i32, %arg1: i32, %arg2: memref<1000000x32xf32, #tpu.memory_space<hbm>>, %arg3: memref<819200xi32, #tpu.memory_space<hbm>>, %arg4: memref<819200x32xf32, #tpu.memory_space<hbm>>, %arg5: memref<1280xi32, #tpu.memory_space<vmem>>, %arg6: memref<1280xi32, #tpu.memory_space<vmem>>, %arg7: memref<1280x32xf32, #tpu.memory_space<vmem>>, %arg8: memref<1280x32xf32, #tpu.memory_space<vmem>>, %arg9: memref<!tpu.dma_semaphore, #tpu.memory_space<semaphore_mem>>, %arg10: memref<!tpu.dma_semaphore, #tpu.memory_space<semaphore_mem>>) attributes {dimension_semantics = [#tpu.dimension_semantics<core_parallel>, #tpu.dimension_semantics<subcore_parallel>], iteration_bounds = array<i64: 2, 16>, scalar_prefetch = 0 : i64, scratch_operands = 6 : i64, tpu.core_type = #tpu.core_type<sc_vector_subcore>, window_params = [{transform_indices = #map}, {transform_indices = #map1}, {transform_indices = #map}]} {
    %mul3A = arith.constant 2 : i32
    %mul3A_0 = arith.muli %arg1, %mul3A : i32
    %add3A = arith.addi %mul3A_0, %arg0 : i32
    %mul3A_1 = arith.constant 25600 : i32
    %mul3A_2 = arith.muli %add3A, %mul3A_1 : i32
    "tpu.region"() ({
      %run_scoped3A = tpu.sem_alloc : memref<!tpu.dma_semaphore, #tpu.memory_space<semaphore_mem>>
      %dma_start3A_86 = tpu.memref_slice %arg3[%mul3A_2] : memref<819200xi32, #tpu.memory_space<hbm>> -> memref<1280xi32, #tpu.memory_space<hbm>>
      %dma_start3A_87 = tpu.memref_slice %arg3[%mul3A_2] : memref<819200xi32, #tpu.memory_space<hbm>> -> memref<1280xi32, #tpu.memory_space<hbm>>
      tpu.enqueue_dma source(%dma_start3A_87 : memref<1280xi32, #tpu.memory_space<hbm>>) target(%arg5 : memref<1280xi32, #tpu.memory_space<vmem>>) target_semaphore(%run_scoped3A : memref<!tpu.dma_semaphore, #tpu.memory_space<semaphore_mem>>)
      %dma_wait3A = tpu.memref_slice %arg3[%mul3A_2] : memref<819200xi32, #tpu.memory_space<hbm>> -> memref<1280xi32, #tpu.memory_space<hbm>>
      %dma_wait3A_88 = tpu.memref_slice %arg3[%mul3A_2] : memref<819200xi32, #tpu.memory_space<hbm>> -> memref<1280xi32, #tpu.memory_space<hbm>>
      tpu.wait_dma2 semaphore(%run_scoped3A : memref<!tpu.dma_semaphore, #tpu.memory_space<semaphore_mem>>) src(%dma_wait3A_88 : memref<1280xi32, #tpu.memory_space<hbm>>) dst(%arg5 : memref<1280xi32, #tpu.memory_space<vmem>>)
      tpu.yield
    }) : () -> ()
    %dma_start3A = arith.constant 0 : i32
    %dma_start3A_3 = arith.constant 0 : i32
    %dma_start3A_4 = tpu.memref_slice %arg7[%dma_start3A, %dma_start3A_3] : memref<1280x32xf32, #tpu.memory_space<vmem>> -> memref<128x32xf32, #tpu.memory_space<vmem>>
    %dma_start3A_5 = arith.constant 0 : i32
    %dma_start3A_6 = tpu.memref_slice %arg5[%dma_start3A_5] : memref<1280xi32, #tpu.memory_space<vmem>> -> memref<128xi32, #tpu.memory_space<vmem>>
    %dma_start3A_7 = arith.constant 0 : i32
    %dma_start3A_8 = arith.constant 0 : i32
    %dma_start3A_9 = tpu.memref_slice %arg2[%dma_start3A_7, %dma_start3A_8] : memref<1000000x32xf32, #tpu.memory_space<hbm>> -> memref<1000000x32xf32, #tpu.memory_space<hbm>>
    tpu.enqueue_indirect_dma source(%dma_start3A_9 : memref<1000000x32xf32, #tpu.memory_space<hbm>>) target(%dma_start3A_4 : memref<128x32xf32, #tpu.memory_space<vmem>>) offsets(%dma_start3A_6 : memref<128xi32, #tpu.memory_space<vmem>>) semaphore(%arg9 : memref<!tpu.dma_semaphore, #tpu.memory_space<semaphore_mem>>)
    %dma_start3A_10 = arith.constant 128 : i32
    %dma_start3A_11 = arith.constant 0 : i32
    %dma_start3A_12 = tpu.memref_slice %arg7[%dma_start3A_10, %dma_start3A_11] : memref<1280x32xf32, #tpu.memory_space<vmem>> -> memref<128x32xf32, #tpu.memory_space<vmem>>
    %dma_start3A_13 = arith.constant 128 : i32
    %dma_start3A_14 = tpu.memref_slice %arg5[%dma_start3A_13] : memref<1280xi32, #tpu.memory_space<vmem>> -> memref<128xi32, #tpu.memory_space<vmem>>
    %dma_start3A_15 = arith.constant 0 : i32
    %dma_start3A_16 = arith.constant 0 : i32
    %dma_start3A_17 = tpu.memref_slice %arg2[%dma_start3A_15, %dma_start3A_16] : memref<1000000x32xf32, #tpu.memory_space<hbm>> -> memref<1000000x32xf32, #tpu.memory_space<hbm>>
    tpu.enqueue_indirect_dma source(%dma_start3A_17 : memref<1000000x32xf32, #tpu.memory_space<hbm>>) target(%dma_start3A_12 : memref<128x32xf32, #tpu.memory_space<vmem>>) offsets(%dma_start3A_14 : memref<128xi32, #tpu.memory_space<vmem>>) semaphore(%arg9 : memref<!tpu.dma_semaphore, #tpu.memory_space<semaphore_mem>>)
    %dma_start3A_18 = arith.constant 256 : i32
    %dma_start3A_19 = arith.constant 0 : i32
    %dma_start3A_20 = tpu.memref_slice %arg7[%dma_start3A_18, %dma_start3A_19] : memref<1280x32xf32, #tpu.memory_space<vmem>> -> memref<128x32xf32, #tpu.memory_space<vmem>>
    %dma_start3A_21 = arith.constant 256 : i32
    %dma_start3A_22 = tpu.memref_slice %arg5[%dma_start3A_21] : memref<1280xi32, #tpu.memory_space<vmem>> -> memref<128xi32, #tpu.memory_space<vmem>>
    %dma_start3A_23 = arith.constant 0 : i32
    %dma_start3A_24 = arith.constant 0 : i32
    %dma_start3A_25 = tpu.memref_slice %arg2[%dma_start3A_23, %dma_start3A_24] : memref<1000000x32xf32, #tpu.memory_space<hbm>> -> memref<1000000x32xf32, #tpu.memory_space<hbm>>
    tpu.enqueue_indirect_dma source(%dma_start3A_25 : memref<1000000x32xf32, #tpu.memory_space<hbm>>) target(%dma_start3A_20 : memref<128x32xf32, #tpu.memory_space<vmem>>) offsets(%dma_start3A_22 : memref<128xi32, #tpu.memory_space<vmem>>) semaphore(%arg9 : memref<!tpu.dma_semaphore, #tpu.memory_space<semaphore_mem>>)
    %dma_start3A_26 = arith.constant 384 : i32
    %dma_start3A_27 = arith.constant 0 : i32
    %dma_start3A_28 = tpu.memref_slice %arg7[%dma_start3A_26, %dma_start3A_27] : memref<1280x32xf32, #tpu.memory_space<vmem>> -> memref<128x32xf32, #tpu.memory_space<vmem>>
    %dma_start3A_29 = arith.constant 384 : i32
    %dma_start3A_30 = tpu.memref_slice %arg5[%dma_start3A_29] : memref<1280xi32, #tpu.memory_space<vmem>> -> memref<128xi32, #tpu.memory_space<vmem>>
    %dma_start3A_31 = arith.constant 0 : i32
    %dma_start3A_32 = arith.constant 0 : i32
    %dma_start3A_33 = tpu.memref_slice %arg2[%dma_start3A_31, %dma_start3A_32] : memref<1000000x32xf32, #tpu.memory_space<hbm>> -> memref<1000000x32xf32, #tpu.memory_space<hbm>>
    tpu.enqueue_indirect_dma source(%dma_start3A_33 : memref<1000000x32xf32, #tpu.memory_space<hbm>>) target(%dma_start3A_28 : memref<128x32xf32, #tpu.memory_space<vmem>>) offsets(%dma_start3A_30 : memref<128xi32, #tpu.memory_space<vmem>>) semaphore(%arg9 : memref<!tpu.dma_semaphore, #tpu.memory_space<semaphore_mem>>)
    %dma_start3A_34 = arith.constant 512 : i32
    %dma_start3A_35 = arith.constant 0 : i32
    %dma_start3A_36 = tpu.memref_slice %arg7[%dma_start3A_34, %dma_start3A_35] : memref<1280x32xf32, #tpu.memory_space<vmem>> -> memref<128x32xf32, #tpu.memory_space<vmem>>
    %dma_start3A_37 = arith.constant 512 : i32
    %dma_start3A_38 = tpu.memref_slice %arg5[%dma_start3A_37] : memref<1280xi32, #tpu.memory_space<vmem>> -> memref<128xi32, #tpu.memory_space<vmem>>
    %dma_start3A_39 = arith.constant 0 : i32
    %dma_start3A_40 = arith.constant 0 : i32
    %dma_start3A_41 = tpu.memref_slice %arg2[%dma_start3A_39, %dma_start3A_40] : memref<1000000x32xf32, #tpu.memory_space<hbm>> -> memref<1000000x32xf32, #tpu.memory_space<hbm>>
    tpu.enqueue_indirect_dma source(%dma_start3A_41 : memref<1000000x32xf32, #tpu.memory_space<hbm>>) target(%dma_start3A_36 : memref<128x32xf32, #tpu.memory_space<vmem>>) offsets(%dma_start3A_38 : memref<128xi32, #tpu.memory_space<vmem>>) semaphore(%arg9 : memref<!tpu.dma_semaphore, #tpu.memory_space<semaphore_mem>>)
    %dma_start3A_42 = arith.constant 640 : i32
    %dma_start3A_43 = arith.constant 0 : i32
    %dma_start3A_44 = tpu.memref_slice %arg7[%dma_start3A_42, %dma_start3A_43] : memref<1280x32xf32, #tpu.memory_space<vmem>> -> memref<128x32xf32, #tpu.memory_space<vmem>>
    %dma_start3A_45 = arith.constant 640 : i32
    %dma_start3A_46 = tpu.memref_slice %arg5[%dma_start3A_45] : memref<1280xi32, #tpu.memory_space<vmem>> -> memref<128xi32, #tpu.memory_space<vmem>>
    %dma_start3A_47 = arith.constant 0 : i32
    %dma_start3A_48 = arith.constant 0 : i32
    %dma_start3A_49 = tpu.memref_slice %arg2[%dma_start3A_47, %dma_start3A_48] : memref<1000000x32xf32, #tpu.memory_space<hbm>> -> memref<1000000x32xf32, #tpu.memory_space<hbm>>
    tpu.enqueue_indirect_dma source(%dma_start3A_49 : memref<1000000x32xf32, #tpu.memory_space<hbm>>) target(%dma_start3A_44 : memref<128x32xf32, #tpu.memory_space<vmem>>) offsets(%dma_start3A_46 : memref<128xi32, #tpu.memory_space<vmem>>) semaphore(%arg9 : memref<!tpu.dma_semaphore, #tpu.memory_space<semaphore_mem>>)
    %dma_start3A_50 = arith.constant 768 : i32
    %dma_start3A_51 = arith.constant 0 : i32
    %dma_start3A_52 = tpu.memref_slice %arg7[%dma_start3A_50, %dma_start3A_51] : memref<1280x32xf32, #tpu.memory_space<vmem>> -> memref<128x32xf32, #tpu.memory_space<vmem>>
    %dma_start3A_53 = arith.constant 768 : i32
    %dma_start3A_54 = tpu.memref_slice %arg5[%dma_start3A_53] : memref<1280xi32, #tpu.memory_space<vmem>> -> memref<128xi32, #tpu.memory_space<vmem>>
    %dma_start3A_55 = arith.constant 0 : i32
    %dma_start3A_56 = arith.constant 0 : i32
    %dma_start3A_57 = tpu.memref_slice %arg2[%dma_start3A_55, %dma_start3A_56] : memref<1000000x32xf32, #tpu.memory_space<hbm>> -> memref<1000000x32xf32, #tpu.memory_space<hbm>>
    tpu.enqueue_indirect_dma source(%dma_start3A_57 : memref<1000000x32xf32, #tpu.memory_space<hbm>>) target(%dma_start3A_52 : memref<128x32xf32, #tpu.memory_space<vmem>>) offsets(%dma_start3A_54 : memref<128xi32, #tpu.memory_space<vmem>>) semaphore(%arg9 : memref<!tpu.dma_semaphore, #tpu.memory_space<semaphore_mem>>)
    %dma_start3A_58 = arith.constant 896 : i32
    %dma_start3A_59 = arith.constant 0 : i32
    %dma_start3A_60 = tpu.memref_slice %arg7[%dma_start3A_58, %dma_start3A_59] : memref<1280x32xf32, #tpu.memory_space<vmem>> -> memref<128x32xf32, #tpu.memory_space<vmem>>
    %dma_start3A_61 = arith.constant 896 : i32
    %dma_start3A_62 = tpu.memref_slice %arg5[%dma_start3A_61] : memref<1280xi32, #tpu.memory_space<vmem>> -> memref<128xi32, #tpu.memory_space<vmem>>
    %dma_start3A_63 = arith.constant 0 : i32
    %dma_start3A_64 = arith.constant 0 : i32
    %dma_start3A_65 = tpu.memref_slice %arg2[%dma_start3A_63, %dma_start3A_64] : memref<1000000x32xf32, #tpu.memory_space<hbm>> -> memref<1000000x32xf32, #tpu.memory_space<hbm>>
    tpu.enqueue_indirect_dma source(%dma_start3A_65 : memref<1000000x32xf32, #tpu.memory_space<hbm>>) target(%dma_start3A_60 : memref<128x32xf32, #tpu.memory_space<vmem>>) offsets(%dma_start3A_62 : memref<128xi32, #tpu.memory_space<vmem>>) semaphore(%arg9 : memref<!tpu.dma_semaphore, #tpu.memory_space<semaphore_mem>>)
    %dma_start3A_66 = arith.constant 1024 : i32
    %dma_start3A_67 = arith.constant 0 : i32
    %dma_start3A_68 = tpu.memref_slice %arg7[%dma_start3A_66, %dma_start3A_67] : memref<1280x32xf32, #tpu.memory_space<vmem>> -> memref<128x32xf32, #tpu.memory_space<vmem>>
    %dma_start3A_69 = arith.constant 1024 : i32
    %dma_start3A_70 = tpu.memref_slice %arg5[%dma_start3A_69] : memref<1280xi32, #tpu.memory_space<vmem>> -> memref<128xi32, #tpu.memory_space<vmem>>
    %dma_start3A_71 = arith.constant 0 : i32
    %dma_start3A_72 = arith.constant 0 : i32
    %dma_start3A_73 = tpu.memref_slice %arg2[%dma_start3A_71, %dma_start3A_72] : memref<1000000x32xf32, #tpu.memory_space<hbm>> -> memref<1000000x32xf32, #tpu.memory_space<hbm>>
    tpu.enqueue_indirect_dma source(%dma_start3A_73 : memref<1000000x32xf32, #tpu.memory_space<hbm>>) target(%dma_start3A_68 : memref<128x32xf32, #tpu.memory_space<vmem>>) offsets(%dma_start3A_70 : memref<128xi32, #tpu.memory_space<vmem>>) semaphore(%arg9 : memref<!tpu.dma_semaphore, #tpu.memory_space<semaphore_mem>>)
    %dma_start3A_74 = arith.constant 1152 : i32
    %dma_start3A_75 = arith.constant 0 : i32
    %dma_start3A_76 = tpu.memref_slice %arg7[%dma_start3A_74, %dma_start3A_75] : memref<1280x32xf32, #tpu.memory_space<vmem>> -> memref<128x32xf32, #tpu.memory_space<vmem>>
    %dma_start3A_77 = arith.constant 1152 : i32
    %dma_start3A_78 = tpu.memref_slice %arg5[%dma_start3A_77] : memref<1280xi32, #tpu.memory_space<vmem>> -> memref<128xi32, #tpu.memory_space<vmem>>
    %dma_start3A_79 = arith.constant 0 : i32
    %dma_start3A_80 = arith.constant 0 : i32
    %dma_start3A_81 = tpu.memref_slice %arg2[%dma_start3A_79, %dma_start3A_80] : memref<1000000x32xf32, #tpu.memory_space<hbm>> -> memref<1000000x32xf32, #tpu.memory_space<hbm>>
    tpu.enqueue_indirect_dma source(%dma_start3A_81 : memref<1000000x32xf32, #tpu.memory_space<hbm>>) target(%dma_start3A_76 : memref<128x32xf32, #tpu.memory_space<vmem>>) offsets(%dma_start3A_78 : memref<128xi32, #tpu.memory_space<vmem>>) semaphore(%arg9 : memref<!tpu.dma_semaphore, #tpu.memory_space<semaphore_mem>>)
    %scan3A = arith.constant 0 : i32
    %scan3A_82 = arith.constant 10 : i32
    %scan3A_83 = arith.addi %scan3A, %scan3A_82 : i32
    %scan3A_84 = arith.constant 1 : i32
    scf.for %scan3A_86 = %scan3A to %scan3A_83 step %scan3A_84  : i32 {
      %mul3A_87 = arith.constant 2 : i32
      %mul3A_88 = arith.muli %scan3A_86, %mul3A_87 : i32
      %add3A_89 = arith.constant 0 : i32
      %add3A_90 = arith.addi %add3A_89, %mul3A_88 : i32
      %add3A_91 = arith.constant 0 : i32
      %add3A_92 = arith.addi %add3A_90, %add3A_91 : i32
      %add3A_93 = arith.constant 1 : i32
      %add3A_94 = arith.addi %add3A_92, %add3A_93 : i32
      %lt3A = arith.constant 20 : i32
      %lt3A_95 = arith.cmpi slt, %add3A_94, %lt3A : i32
      %convert_element_type3A = arith.extui %lt3A_95 : i1 to i32
      %cond3A = arith.constant 0 : i32
      %cond3A_96 = arith.cmpi ne, %convert_element_type3A, %cond3A : i32
      scf.if %cond3A_96 {
        %add3A_271 = arith.constant 1 : i32
        %add3A_272 = arith.addi %add3A_92, %add3A_271 : i32
        %mul3A_273 = arith.constant 1280 : i32
        %mul3A_274 = arith.muli %add3A_272, %mul3A_273 : i32
        %add3A_275 = arith.addi %mul3A_2, %mul3A_274 : i32
        "tpu.region"() ({
          %run_scoped3A = tpu.sem_alloc : memref<!tpu.dma_semaphore, #tpu.memory_space<semaphore_mem>>
          %dma_start3A_356 = tpu.memref_slice %arg3[%add3A_275] : memref<819200xi32, #tpu.memory_space<hbm>> -> memref<1280xi32, #tpu.memory_space<hbm>>
          %dma_start3A_357 = tpu.memref_slice %arg3[%add3A_275] : memref<819200xi32, #tpu.memory_space<hbm>> -> memref<1280xi32, #tpu.memory_space<hbm>>
          tpu.enqueue_dma source(%dma_start3A_357 : memref<1280xi32, #tpu.memory_space<hbm>>) target(%arg6 : memref<1280xi32, #tpu.memory_space<vmem>>) target_semaphore(%run_scoped3A : memref<!tpu.dma_semaphore, #tpu.memory_space<semaphore_mem>>)
          %dma_wait3A_358 = tpu.memref_slice %arg3[%add3A_275] : memref<819200xi32, #tpu.memory_space<hbm>> -> memref<1280xi32, #tpu.memory_space<hbm>>
          %dma_wait3A_359 = tpu.memref_slice %arg3[%add3A_275] : memref<819200xi32, #tpu.memory_space<hbm>> -> memref<1280xi32, #tpu.memory_space<hbm>>
          tpu.wait_dma2 semaphore(%run_scoped3A : memref<!tpu.dma_semaphore, #tpu.memory_space<semaphore_mem>>) src(%dma_wait3A_359 : memref<1280xi32, #tpu.memory_space<hbm>>) dst(%arg6 : memref<1280xi32, #tpu.memory_space<vmem>>)
          tpu.yield
        }) : () -> ()
        %dma_start3A_276 = arith.constant 0 : i32
        %dma_start3A_277 = arith.constant 0 : i32
        %dma_start3A_278 = tpu.memref_slice %arg8[%dma_start3A_276, %dma_start3A_277] : memref<1280x32xf32, #tpu.memory_space<vmem>> -> memref<128x32xf32, #tpu.memory_space<vmem>>
        %dma_start3A_279 = arith.constant 0 : i32
        %dma_start3A_280 = tpu.memref_slice %arg6[%dma_start3A_279] : memref<1280xi32, #tpu.memory_space<vmem>> -> memref<128xi32, #tpu.memory_space<vmem>>
        %dma_start3A_281 = arith.constant 0 : i32
        %dma_start3A_282 = arith.constant 0 : i32
        %dma_start3A_283 = tpu.memref_slice %arg2[%dma_start3A_281, %dma_start3A_282] : memref<1000000x32xf32, #tpu.memory_space<hbm>> -> memref<1000000x32xf32, #tpu.memory_space<hbm>>
        tpu.enqueue_indirect_dma source(%dma_start3A_283 : memref<1000000x32xf32, #tpu.memory_space<hbm>>) target(%dma_start3A_278 : memref<128x32xf32, #tpu.memory_space<vmem>>) offsets(%dma_start3A_280 : memref<128xi32, #tpu.memory_space<vmem>>) semaphore(%arg10 : memref<!tpu.dma_semaphore, #tpu.memory_space<semaphore_mem>>)
        %dma_start3A_284 = arith.constant 128 : i32
        %dma_start3A_285 = arith.constant 0 : i32
        %dma_start3A_286 = tpu.memref_slice %arg8[%dma_start3A_284, %dma_start3A_285] : memref<1280x32xf32, #tpu.memory_space<vmem>> -> memref<128x32xf32, #tpu.memory_space<vmem>>
        %dma_start3A_287 = arith.constant 128 : i32
        %dma_start3A_288 = tpu.memref_slice %arg6[%dma_start3A_287] : memref<1280xi32, #tpu.memory_space<vmem>> -> memref<128xi32, #tpu.memory_space<vmem>>
        %dma_start3A_289 = arith.constant 0 : i32
        %dma_start3A_290 = arith.constant 0 : i32
        %dma_start3A_291 = tpu.memref_slice %arg2[%dma_start3A_289, %dma_start3A_290] : memref<1000000x32xf32, #tpu.memory_space<hbm>> -> memref<1000000x32xf32, #tpu.memory_space<hbm>>
        tpu.enqueue_indirect_dma source(%dma_start3A_291 : memref<1000000x32xf32, #tpu.memory_space<hbm>>) target(%dma_start3A_286 : memref<128x32xf32, #tpu.memory_space<vmem>>) offsets(%dma_start3A_288 : memref<128xi32, #tpu.memory_space<vmem>>) semaphore(%arg10 : memref<!tpu.dma_semaphore, #tpu.memory_space<semaphore_mem>>)
        %dma_start3A_292 = arith.constant 256 : i32
        %dma_start3A_293 = arith.constant 0 : i32
        %dma_start3A_294 = tpu.memref_slice %arg8[%dma_start3A_292, %dma_start3A_293] : memref<1280x32xf32, #tpu.memory_space<vmem>> -> memref<128x32xf32, #tpu.memory_space<vmem>>
        %dma_start3A_295 = arith.constant 256 : i32
        %dma_start3A_296 = tpu.memref_slice %arg6[%dma_start3A_295] : memref<1280xi32, #tpu.memory_space<vmem>> -> memref<128xi32, #tpu.memory_space<vmem>>
        %dma_start3A_297 = arith.constant 0 : i32
        %dma_start3A_298 = arith.constant 0 : i32
        %dma_start3A_299 = tpu.memref_slice %arg2[%dma_start3A_297, %dma_start3A_298] : memref<1000000x32xf32, #tpu.memory_space<hbm>> -> memref<1000000x32xf32, #tpu.memory_space<hbm>>
        tpu.enqueue_indirect_dma source(%dma_start3A_299 : memref<1000000x32xf32, #tpu.memory_space<hbm>>) target(%dma_start3A_294 : memref<128x32xf32, #tpu.memory_space<vmem>>) offsets(%dma_start3A_296 : memref<128xi32, #tpu.memory_space<vmem>>) semaphore(%arg10 : memref<!tpu.dma_semaphore, #tpu.memory_space<semaphore_mem>>)
        %dma_start3A_300 = arith.constant 384 : i32
        %dma_start3A_301 = arith.constant 0 : i32
        %dma_start3A_302 = tpu.memref_slice %arg8[%dma_start3A_300, %dma_start3A_301] : memref<1280x32xf32, #tpu.memory_space<vmem>> -> memref<128x32xf32, #tpu.memory_space<vmem>>
        %dma_start3A_303 = arith.constant 384 : i32
        %dma_start3A_304 = tpu.memref_slice %arg6[%dma_start3A_303] : memref<1280xi32, #tpu.memory_space<vmem>> -> memref<128xi32, #tpu.memory_space<vmem>>
        %dma_start3A_305 = arith.constant 0 : i32
        %dma_start3A_306 = arith.constant 0 : i32
        %dma_start3A_307 = tpu.memref_slice %arg2[%dma_start3A_305, %dma_start3A_306] : memref<1000000x32xf32, #tpu.memory_space<hbm>> -> memref<1000000x32xf32, #tpu.memory_space<hbm>>
        tpu.enqueue_indirect_dma source(%dma_start3A_307 : memref<1000000x32xf32, #tpu.memory_space<hbm>>) target(%dma_start3A_302 : memref<128x32xf32, #tpu.memory_space<vmem>>) offsets(%dma_start3A_304 : memref<128xi32, #tpu.memory_space<vmem>>) semaphore(%arg10 : memref<!tpu.dma_semaphore, #tpu.memory_space<semaphore_mem>>)
        %dma_start3A_308 = arith.constant 512 : i32
        %dma_start3A_309 = arith.constant 0 : i32
        %dma_start3A_310 = tpu.memref_slice %arg8[%dma_start3A_308, %dma_start3A_309] : memref<1280x32xf32, #tpu.memory_space<vmem>> -> memref<128x32xf32, #tpu.memory_space<vmem>>
        %dma_start3A_311 = arith.constant 512 : i32
        %dma_start3A_312 = tpu.memref_slice %arg6[%dma_start3A_311] : memref<1280xi32, #tpu.memory_space<vmem>> -> memref<128xi32, #tpu.memory_space<vmem>>
        %dma_start3A_313 = arith.constant 0 : i32
        %dma_start3A_314 = arith.constant 0 : i32
        %dma_start3A_315 = tpu.memref_slice %arg2[%dma_start3A_313, %dma_start3A_314] : memref<1000000x32xf32, #tpu.memory_space<hbm>> -> memref<1000000x32xf32, #tpu.memory_space<hbm>>
        tpu.enqueue_indirect_dma source(%dma_start3A_315 : memref<1000000x32xf32, #tpu.memory_space<hbm>>) target(%dma_start3A_310 : memref<128x32xf32, #tpu.memory_space<vmem>>) offsets(%dma_start3A_312 : memref<128xi32, #tpu.memory_space<vmem>>) semaphore(%arg10 : memref<!tpu.dma_semaphore, #tpu.memory_space<semaphore_mem>>)
        %dma_start3A_316 = arith.constant 640 : i32
        %dma_start3A_317 = arith.constant 0 : i32
        %dma_start3A_318 = tpu.memref_slice %arg8[%dma_start3A_316, %dma_start3A_317] : memref<1280x32xf32, #tpu.memory_space<vmem>> -> memref<128x32xf32, #tpu.memory_space<vmem>>
        %dma_start3A_319 = arith.constant 640 : i32
        %dma_start3A_320 = tpu.memref_slice %arg6[%dma_start3A_319] : memref<1280xi32, #tpu.memory_space<vmem>> -> memref<128xi32, #tpu.memory_space<vmem>>
        %dma_start3A_321 = arith.constant 0 : i32
        %dma_start3A_322 = arith.constant 0 : i32
        %dma_start3A_323 = tpu.memref_slice %arg2[%dma_start3A_321, %dma_start3A_322] : memref<1000000x32xf32, #tpu.memory_space<hbm>> -> memref<1000000x32xf32, #tpu.memory_space<hbm>>
        tpu.enqueue_indirect_dma source(%dma_start3A_323 : memref<1000000x32xf32, #tpu.memory_space<hbm>>) target(%dma_start3A_318 : memref<128x32xf32, #tpu.memory_space<vmem>>) offsets(%dma_start3A_320 : memref<128xi32, #tpu.memory_space<vmem>>) semaphore(%arg10 : memref<!tpu.dma_semaphore, #tpu.memory_space<semaphore_mem>>)
        %dma_start3A_324 = arith.constant 768 : i32
        %dma_start3A_325 = arith.constant 0 : i32
        %dma_start3A_326 = tpu.memref_slice %arg8[%dma_start3A_324, %dma_start3A_325] : memref<1280x32xf32, #tpu.memory_space<vmem>> -> memref<128x32xf32, #tpu.memory_space<vmem>>
        %dma_start3A_327 = arith.constant 768 : i32
        %dma_start3A_328 = tpu.memref_slice %arg6[%dma_start3A_327] : memref<1280xi32, #tpu.memory_space<vmem>> -> memref<128xi32, #tpu.memory_space<vmem>>
        %dma_start3A_329 = arith.constant 0 : i32
        %dma_start3A_330 = arith.constant 0 : i32
        %dma_start3A_331 = tpu.memref_slice %arg2[%dma_start3A_329, %dma_start3A_330] : memref<1000000x32xf32, #tpu.memory_space<hbm>> -> memref<1000000x32xf32, #tpu.memory_space<hbm>>
        tpu.enqueue_indirect_dma source(%dma_start3A_331 : memref<1000000x32xf32, #tpu.memory_space<hbm>>) target(%dma_start3A_326 : memref<128x32xf32, #tpu.memory_space<vmem>>) offsets(%dma_start3A_328 : memref<128xi32, #tpu.memory_space<vmem>>) semaphore(%arg10 : memref<!tpu.dma_semaphore, #tpu.memory_space<semaphore_mem>>)
        %dma_start3A_332 = arith.constant 896 : i32
        %dma_start3A_333 = arith.constant 0 : i32
        %dma_start3A_334 = tpu.memref_slice %arg8[%dma_start3A_332, %dma_start3A_333] : memref<1280x32xf32, #tpu.memory_space<vmem>> -> memref<128x32xf32, #tpu.memory_space<vmem>>
        %dma_start3A_335 = arith.constant 896 : i32
        %dma_start3A_336 = tpu.memref_slice %arg6[%dma_start3A_335] : memref<1280xi32, #tpu.memory_space<vmem>> -> memref<128xi32, #tpu.memory_space<vmem>>
        %dma_start3A_337 = arith.constant 0 : i32
        %dma_start3A_338 = arith.constant 0 : i32
        %dma_start3A_339 = tpu.memref_slice %arg2[%dma_start3A_337, %dma_start3A_338] : memref<1000000x32xf32, #tpu.memory_space<hbm>> -> memref<1000000x32xf32, #tpu.memory_space<hbm>>
        tpu.enqueue_indirect_dma source(%dma_start3A_339 : memref<1000000x32xf32, #tpu.memory_space<hbm>>) target(%dma_start3A_334 : memref<128x32xf32, #tpu.memory_space<vmem>>) offsets(%dma_start3A_336 : memref<128xi32, #tpu.memory_space<vmem>>) semaphore(%arg10 : memref<!tpu.dma_semaphore, #tpu.memory_space<semaphore_mem>>)
        %dma_start3A_340 = arith.constant 1024 : i32
        %dma_start3A_341 = arith.constant 0 : i32
        %dma_start3A_342 = tpu.memref_slice %arg8[%dma_start3A_340, %dma_start3A_341] : memref<1280x32xf32, #tpu.memory_space<vmem>> -> memref<128x32xf32, #tpu.memory_space<vmem>>
        %dma_start3A_343 = arith.constant 1024 : i32
        %dma_start3A_344 = tpu.memref_slice %arg6[%dma_start3A_343] : memref<1280xi32, #tpu.memory_space<vmem>> -> memref<128xi32, #tpu.memory_space<vmem>>
        %dma_start3A_345 = arith.constant 0 : i32
        %dma_start3A_346 = arith.constant 0 : i32
        %dma_start3A_347 = tpu.memref_slice %arg2[%dma_start3A_345, %dma_start3A_346] : memref<1000000x32xf32, #tpu.memory_space<hbm>> -> memref<1000000x32xf32, #tpu.memory_space<hbm>>
        tpu.enqueue_indirect_dma source(%dma_start3A_347 : memref<1000000x32xf32, #tpu.memory_space<hbm>>) target(%dma_start3A_342 : memref<128x32xf32, #tpu.memory_space<vmem>>) offsets(%dma_start3A_344 : memref<128xi32, #tpu.memory_space<vmem>>) semaphore(%arg10 : memref<!tpu.dma_semaphore, #tpu.memory_space<semaphore_mem>>)
        %dma_start3A_348 = arith.constant 1152 : i32
        %dma_start3A_349 = arith.constant 0 : i32
        %dma_start3A_350 = tpu.memref_slice %arg8[%dma_start3A_348, %dma_start3A_349] : memref<1280x32xf32, #tpu.memory_space<vmem>> -> memref<128x32xf32, #tpu.memory_space<vmem>>
        %dma_start3A_351 = arith.constant 1152 : i32
        %dma_start3A_352 = tpu.memref_slice %arg6[%dma_start3A_351] : memref<1280xi32, #tpu.memory_space<vmem>> -> memref<128xi32, #tpu.memory_space<vmem>>
        %dma_start3A_353 = arith.constant 0 : i32
        %dma_start3A_354 = arith.constant 0 : i32
        %dma_start3A_355 = tpu.memref_slice %arg2[%dma_start3A_353, %dma_start3A_354] : memref<1000000x32xf32, #tpu.memory_space<hbm>> -> memref<1000000x32xf32, #tpu.memory_space<hbm>>
        tpu.enqueue_indirect_dma source(%dma_start3A_355 : memref<1000000x32xf32, #tpu.memory_space<hbm>>) target(%dma_start3A_350 : memref<128x32xf32, #tpu.memory_space<vmem>>) offsets(%dma_start3A_352 : memref<128xi32, #tpu.memory_space<vmem>>) semaphore(%arg10 : memref<!tpu.dma_semaphore, #tpu.memory_space<semaphore_mem>>)
      } else {
      }
      %dma_wait3A = arith.constant 0 : i32
      %dma_wait3A_97 = arith.constant 0 : i32
      %dma_wait3A_98 = tpu.memref_slice %arg7[%dma_wait3A, %dma_wait3A_97] : memref<1280x32xf32, #tpu.memory_space<vmem>> -> memref<128x32xf32, #tpu.memory_space<vmem>>
      %dma_wait3A_99 = arith.constant 0 : i32
      %dma_wait3A_100 = tpu.memref_slice %arg5[%dma_wait3A_99] : memref<1280xi32, #tpu.memory_space<vmem>> -> memref<128xi32, #tpu.memory_space<vmem>>
      %dma_wait3A_101 = arith.constant 0 : i32
      %dma_wait3A_102 = arith.constant 0 : i32
      %dma_wait3A_103 = tpu.memref_slice %arg2[%dma_wait3A_101, %dma_wait3A_102] : memref<1000000x32xf32, #tpu.memory_space<hbm>> -> memref<1000000x32xf32, #tpu.memory_space<hbm>>
      tpu.wait_indirect_dma semaphore(%arg9 : memref<!tpu.dma_semaphore, #tpu.memory_space<semaphore_mem>>) src(%dma_wait3A_103 : memref<1000000x32xf32, #tpu.memory_space<hbm>>) dst(%dma_wait3A_98 : memref<128x32xf32, #tpu.memory_space<vmem>>)
      %dma_wait3A_104 = arith.constant 128 : i32
      %dma_wait3A_105 = arith.constant 0 : i32
      %dma_wait3A_106 = tpu.memref_slice %arg7[%dma_wait3A_104, %dma_wait3A_105] : memref<1280x32xf32, #tpu.memory_space<vmem>> -> memref<128x32xf32, #tpu.memory_space<vmem>>
      %dma_wait3A_107 = arith.constant 128 : i32
      %dma_wait3A_108 = tpu.memref_slice %arg5[%dma_wait3A_107] : memref<1280xi32, #tpu.memory_space<vmem>> -> memref<128xi32, #tpu.memory_space<vmem>>
      %dma_wait3A_109 = arith.constant 0 : i32
      %dma_wait3A_110 = arith.constant 0 : i32
      %dma_wait3A_111 = tpu.memref_slice %arg2[%dma_wait3A_109, %dma_wait3A_110] : memref<1000000x32xf32, #tpu.memory_space<hbm>> -> memref<1000000x32xf32, #tpu.memory_space<hbm>>
      tpu.wait_indirect_dma semaphore(%arg9 : memref<!tpu.dma_semaphore, #tpu.memory_space<semaphore_mem>>) src(%dma_wait3A_111 : memref<1000000x32xf32, #tpu.memory_space<hbm>>) dst(%dma_wait3A_106 : memref<128x32xf32, #tpu.memory_space<vmem>>)
      %dma_wait3A_112 = arith.constant 256 : i32
      %dma_wait3A_113 = arith.constant 0 : i32
      %dma_wait3A_114 = tpu.memref_slice %arg7[%dma_wait3A_112, %dma_wait3A_113] : memref<1280x32xf32, #tpu.memory_space<vmem>> -> memref<128x32xf32, #tpu.memory_space<vmem>>
      %dma_wait3A_115 = arith.constant 256 : i32
      %dma_wait3A_116 = tpu.memref_slice %arg5[%dma_wait3A_115] : memref<1280xi32, #tpu.memory_space<vmem>> -> memref<128xi32, #tpu.memory_space<vmem>>
      %dma_wait3A_117 = arith.constant 0 : i32
      %dma_wait3A_118 = arith.constant 0 : i32
      %dma_wait3A_119 = tpu.memref_slice %arg2[%dma_wait3A_117, %dma_wait3A_118] : memref<1000000x32xf32, #tpu.memory_space<hbm>> -> memref<1000000x32xf32, #tpu.memory_space<hbm>>
      tpu.wait_indirect_dma semaphore(%arg9 : memref<!tpu.dma_semaphore, #tpu.memory_space<semaphore_mem>>) src(%dma_wait3A_119 : memref<1000000x32xf32, #tpu.memory_space<hbm>>) dst(%dma_wait3A_114 : memref<128x32xf32, #tpu.memory_space<vmem>>)
      %dma_wait3A_120 = arith.constant 384 : i32
      %dma_wait3A_121 = arith.constant 0 : i32
      %dma_wait3A_122 = tpu.memref_slice %arg7[%dma_wait3A_120, %dma_wait3A_121] : memref<1280x32xf32, #tpu.memory_space<vmem>> -> memref<128x32xf32, #tpu.memory_space<vmem>>
      %dma_wait3A_123 = arith.constant 384 : i32
      %dma_wait3A_124 = tpu.memref_slice %arg5[%dma_wait3A_123] : memref<1280xi32, #tpu.memory_space<vmem>> -> memref<128xi32, #tpu.memory_space<vmem>>
      %dma_wait3A_125 = arith.constant 0 : i32
      %dma_wait3A_126 = arith.constant 0 : i32
      %dma_wait3A_127 = tpu.memref_slice %arg2[%dma_wait3A_125, %dma_wait3A_126] : memref<1000000x32xf32, #tpu.memory_space<hbm>> -> memref<1000000x32xf32, #tpu.memory_space<hbm>>
      tpu.wait_indirect_dma semaphore(%arg9 : memref<!tpu.dma_semaphore, #tpu.memory_space<semaphore_mem>>) src(%dma_wait3A_127 : memref<1000000x32xf32, #tpu.memory_space<hbm>>) dst(%dma_wait3A_122 : memref<128x32xf32, #tpu.memory_space<vmem>>)
      %dma_wait3A_128 = arith.constant 512 : i32
      %dma_wait3A_129 = arith.constant 0 : i32
      %dma_wait3A_130 = tpu.memref_slice %arg7[%dma_wait3A_128, %dma_wait3A_129] : memref<1280x32xf32, #tpu.memory_space<vmem>> -> memref<128x32xf32, #tpu.memory_space<vmem>>
      %dma_wait3A_131 = arith.constant 512 : i32
      %dma_wait3A_132 = tpu.memref_slice %arg5[%dma_wait3A_131] : memref<1280xi32, #tpu.memory_space<vmem>> -> memref<128xi32, #tpu.memory_space<vmem>>
      %dma_wait3A_133 = arith.constant 0 : i32
      %dma_wait3A_134 = arith.constant 0 : i32
      %dma_wait3A_135 = tpu.memref_slice %arg2[%dma_wait3A_133, %dma_wait3A_134] : memref<1000000x32xf32, #tpu.memory_space<hbm>> -> memref<1000000x32xf32, #tpu.memory_space<hbm>>
      tpu.wait_indirect_dma semaphore(%arg9 : memref<!tpu.dma_semaphore, #tpu.memory_space<semaphore_mem>>) src(%dma_wait3A_135 : memref<1000000x32xf32, #tpu.memory_space<hbm>>) dst(%dma_wait3A_130 : memref<128x32xf32, #tpu.memory_space<vmem>>)
      %dma_wait3A_136 = arith.constant 640 : i32
      %dma_wait3A_137 = arith.constant 0 : i32
      %dma_wait3A_138 = tpu.memref_slice %arg7[%dma_wait3A_136, %dma_wait3A_137] : memref<1280x32xf32, #tpu.memory_space<vmem>> -> memref<128x32xf32, #tpu.memory_space<vmem>>
      %dma_wait3A_139 = arith.constant 640 : i32
      %dma_wait3A_140 = tpu.memref_slice %arg5[%dma_wait3A_139] : memref<1280xi32, #tpu.memory_space<vmem>> -> memref<128xi32, #tpu.memory_space<vmem>>
      %dma_wait3A_141 = arith.constant 0 : i32
      %dma_wait3A_142 = arith.constant 0 : i32
      %dma_wait3A_143 = tpu.memref_slice %arg2[%dma_wait3A_141, %dma_wait3A_142] : memref<1000000x32xf32, #tpu.memory_space<hbm>> -> memref<1000000x32xf32, #tpu.memory_space<hbm>>
      tpu.wait_indirect_dma semaphore(%arg9 : memref<!tpu.dma_semaphore, #tpu.memory_space<semaphore_mem>>) src(%dma_wait3A_143 : memref<1000000x32xf32, #tpu.memory_space<hbm>>) dst(%dma_wait3A_138 : memref<128x32xf32, #tpu.memory_space<vmem>>)
      %dma_wait3A_144 = arith.constant 768 : i32
      %dma_wait3A_145 = arith.constant 0 : i32
      %dma_wait3A_146 = tpu.memref_slice %arg7[%dma_wait3A_144, %dma_wait3A_145] : memref<1280x32xf32, #tpu.memory_space<vmem>> -> memref<128x32xf32, #tpu.memory_space<vmem>>
      %dma_wait3A_147 = arith.constant 768 : i32
      %dma_wait3A_148 = tpu.memref_slice %arg5[%dma_wait3A_147] : memref<1280xi32, #tpu.memory_space<vmem>> -> memref<128xi32, #tpu.memory_space<vmem>>
      %dma_wait3A_149 = arith.constant 0 : i32
      %dma_wait3A_150 = arith.constant 0 : i32
      %dma_wait3A_151 = tpu.memref_slice %arg2[%dma_wait3A_149, %dma_wait3A_150] : memref<1000000x32xf32, #tpu.memory_space<hbm>> -> memref<1000000x32xf32, #tpu.memory_space<hbm>>
      tpu.wait_indirect_dma semaphore(%arg9 : memref<!tpu.dma_semaphore, #tpu.memory_space<semaphore_mem>>) src(%dma_wait3A_151 : memref<1000000x32xf32, #tpu.memory_space<hbm>>) dst(%dma_wait3A_146 : memref<128x32xf32, #tpu.memory_space<vmem>>)
      %dma_wait3A_152 = arith.constant 896 : i32
      %dma_wait3A_153 = arith.constant 0 : i32
      %dma_wait3A_154 = tpu.memref_slice %arg7[%dma_wait3A_152, %dma_wait3A_153] : memref<1280x32xf32, #tpu.memory_space<vmem>> -> memref<128x32xf32, #tpu.memory_space<vmem>>
      %dma_wait3A_155 = arith.constant 896 : i32
      %dma_wait3A_156 = tpu.memref_slice %arg5[%dma_wait3A_155] : memref<1280xi32, #tpu.memory_space<vmem>> -> memref<128xi32, #tpu.memory_space<vmem>>
      %dma_wait3A_157 = arith.constant 0 : i32
      %dma_wait3A_158 = arith.constant 0 : i32
      %dma_wait3A_159 = tpu.memref_slice %arg2[%dma_wait3A_157, %dma_wait3A_158] : memref<1000000x32xf32, #tpu.memory_space<hbm>> -> memref<1000000x32xf32, #tpu.memory_space<hbm>>
      tpu.wait_indirect_dma semaphore(%arg9 : memref<!tpu.dma_semaphore, #tpu.memory_space<semaphore_mem>>) src(%dma_wait3A_159 : memref<1000000x32xf32, #tpu.memory_space<hbm>>) dst(%dma_wait3A_154 : memref<128x32xf32, #tpu.memory_space<vmem>>)
      %dma_wait3A_160 = arith.constant 1024 : i32
      %dma_wait3A_161 = arith.constant 0 : i32
      %dma_wait3A_162 = tpu.memref_slice %arg7[%dma_wait3A_160, %dma_wait3A_161] : memref<1280x32xf32, #tpu.memory_space<vmem>> -> memref<128x32xf32, #tpu.memory_space<vmem>>
      %dma_wait3A_163 = arith.constant 1024 : i32
      %dma_wait3A_164 = tpu.memref_slice %arg5[%dma_wait3A_163] : memref<1280xi32, #tpu.memory_space<vmem>> -> memref<128xi32, #tpu.memory_space<vmem>>
      %dma_wait3A_165 = arith.constant 0 : i32
      %dma_wait3A_166 = arith.constant 0 : i32
      %dma_wait3A_167 = tpu.memref_slice %arg2[%dma_wait3A_165, %dma_wait3A_166] : memref<1000000x32xf32, #tpu.memory_space<hbm>> -> memref<1000000x32xf32, #tpu.memory_space<hbm>>
      tpu.wait_indirect_dma semaphore(%arg9 : memref<!tpu.dma_semaphore, #tpu.memory_space<semaphore_mem>>) src(%dma_wait3A_167 : memref<1000000x32xf32, #tpu.memory_space<hbm>>) dst(%dma_wait3A_162 : memref<128x32xf32, #tpu.memory_space<vmem>>)
      %dma_wait3A_168 = arith.constant 1152 : i32
      %dma_wait3A_169 = arith.constant 0 : i32
      %dma_wait3A_170 = tpu.memref_slice %arg7[%dma_wait3A_168, %dma_wait3A_169] : memref<1280x32xf32, #tpu.memory_space<vmem>> -> memref<128x32xf32, #tpu.memory_space<vmem>>
      %dma_wait3A_171 = arith.constant 1152 : i32
      %dma_wait3A_172 = tpu.memref_slice %arg5[%dma_wait3A_171] : memref<1280xi32, #tpu.memory_space<vmem>> -> memref<128xi32, #tpu.memory_space<vmem>>
      %dma_wait3A_173 = arith.constant 0 : i32
      %dma_wait3A_174 = arith.constant 0 : i32
      %dma_wait3A_175 = tpu.memref_slice %arg2[%dma_wait3A_173, %dma_wait3A_174] : memref<1000000x32xf32, #tpu.memory_space<hbm>> -> memref<1000000x32xf32, #tpu.memory_space<hbm>>
      tpu.wait_indirect_dma semaphore(%arg9 : memref<!tpu.dma_semaphore, #tpu.memory_space<semaphore_mem>>) src(%dma_wait3A_175 : memref<1000000x32xf32, #tpu.memory_space<hbm>>) dst(%dma_wait3A_170 : memref<128x32xf32, #tpu.memory_space<vmem>>)
      %mul3A_176 = arith.constant 1280 : i32
      %mul3A_177 = arith.muli %add3A_92, %mul3A_176 : i32
      %add3A_178 = arith.addi %mul3A_2, %mul3A_177 : i32
      "tpu.region"() ({
        %run_scoped3A = tpu.sem_alloc : memref<!tpu.dma_semaphore, #tpu.memory_space<semaphore_mem>>
        %dma_start3A_271 = arith.constant 0 : i32
        %dma_start3A_272 = tpu.memref_slice %arg4[%add3A_178, %dma_start3A_271] : memref<819200x32xf32, #tpu.memory_space<hbm>> -> memref<1280x32xf32, #tpu.memory_space<hbm>>
        %dma_start3A_273 = arith.constant 0 : i32
        %dma_start3A_274 = tpu.memref_slice %arg4[%add3A_178, %dma_start3A_273] : memref<819200x32xf32, #tpu.memory_space<hbm>> -> memref<1280x32xf32, #tpu.memory_space<hbm>>
        tpu.enqueue_dma source(%arg7 : memref<1280x32xf32, #tpu.memory_space<vmem>>) target(%dma_start3A_274 : memref<1280x32xf32, #tpu.memory_space<hbm>>) target_semaphore(%run_scoped3A : memref<!tpu.dma_semaphore, #tpu.memory_space<semaphore_mem>>)
        %dma_wait3A_275 = arith.constant 0 : i32
        %dma_wait3A_276 = tpu.memref_slice %arg4[%add3A_178, %dma_wait3A_275] : memref<819200x32xf32, #tpu.memory_space<hbm>> -> memref<1280x32xf32, #tpu.memory_space<hbm>>
        %dma_wait3A_277 = arith.constant 0 : i32
        %dma_wait3A_278 = tpu.memref_slice %arg4[%add3A_178, %dma_wait3A_277] : memref<819200x32xf32, #tpu.memory_space<hbm>> -> memref<1280x32xf32, #tpu.memory_space<hbm>>
        tpu.wait_dma2 semaphore(%run_scoped3A : memref<!tpu.dma_semaphore, #tpu.memory_space<semaphore_mem>>) src(%arg7 : memref<1280x32xf32, #tpu.memory_space<vmem>>) dst(%dma_wait3A_278 : memref<1280x32xf32, #tpu.memory_space<hbm>>)
        tpu.yield
      }) : () -> ()
      %add3A_179 = arith.constant 1 : i32
      %add3A_180 = arith.addi %add3A_90, %add3A_179 : i32
      %add3A_181 = arith.constant 1 : i32
      %add3A_182 = arith.addi %add3A_180, %add3A_181 : i32
      %lt3A_183 = arith.constant 20 : i32
      %lt3A_184 = arith.cmpi slt, %add3A_182, %lt3A_183 : i32
      %convert_element_type3A_185 = arith.extui %lt3A_184 : i1 to i32
      %cond3A_186 = arith.constant 0 : i32
      %cond3A_187 = arith.cmpi ne, %convert_element_type3A_185, %cond3A_186 : i32
      scf.if %cond3A_187 {
        %add3A_271 = arith.constant 1 : i32
        %add3A_272 = arith.addi %add3A_180, %add3A_271 : i32
        %mul3A_273 = arith.constant 1280 : i32
        %mul3A_274 = arith.muli %add3A_272, %mul3A_273 : i32
        %add3A_275 = arith.addi %mul3A_2, %mul3A_274 : i32
        "tpu.region"() ({
          %run_scoped3A = tpu.sem_alloc : memref<!tpu.dma_semaphore, #tpu.memory_space<semaphore_mem>>
          %dma_start3A_356 = tpu.memref_slice %arg3[%add3A_275] : memref<819200xi32, #tpu.memory_space<hbm>> -> memref<1280xi32, #tpu.memory_space<hbm>>
          %dma_start3A_357 = tpu.memref_slice %arg3[%add3A_275] : memref<819200xi32, #tpu.memory_space<hbm>> -> memref<1280xi32, #tpu.memory_space<hbm>>
          tpu.enqueue_dma source(%dma_start3A_357 : memref<1280xi32, #tpu.memory_space<hbm>>) target(%arg5 : memref<1280xi32, #tpu.memory_space<vmem>>) target_semaphore(%run_scoped3A : memref<!tpu.dma_semaphore, #tpu.memory_space<semaphore_mem>>)
          %dma_wait3A_358 = tpu.memref_slice %arg3[%add3A_275] : memref<819200xi32, #tpu.memory_space<hbm>> -> memref<1280xi32, #tpu.memory_space<hbm>>
          %dma_wait3A_359 = tpu.memref_slice %arg3[%add3A_275] : memref<819200xi32, #tpu.memory_space<hbm>> -> memref<1280xi32, #tpu.memory_space<hbm>>
          tpu.wait_dma2 semaphore(%run_scoped3A : memref<!tpu.dma_semaphore, #tpu.memory_space<semaphore_mem>>) src(%dma_wait3A_359 : memref<1280xi32, #tpu.memory_space<hbm>>) dst(%arg5 : memref<1280xi32, #tpu.memory_space<vmem>>)
          tpu.yield
        }) : () -> ()
        %dma_start3A_276 = arith.constant 0 : i32
        %dma_start3A_277 = arith.constant 0 : i32
        %dma_start3A_278 = tpu.memref_slice %arg7[%dma_start3A_276, %dma_start3A_277] : memref<1280x32xf32, #tpu.memory_space<vmem>> -> memref<128x32xf32, #tpu.memory_space<vmem>>
        %dma_start3A_279 = arith.constant 0 : i32
        %dma_start3A_280 = tpu.memref_slice %arg5[%dma_start3A_279] : memref<1280xi32, #tpu.memory_space<vmem>> -> memref<128xi32, #tpu.memory_space<vmem>>
        %dma_start3A_281 = arith.constant 0 : i32
        %dma_start3A_282 = arith.constant 0 : i32
        %dma_start3A_283 = tpu.memref_slice %arg2[%dma_start3A_281, %dma_start3A_282] : memref<1000000x32xf32, #tpu.memory_space<hbm>> -> memref<1000000x32xf32, #tpu.memory_space<hbm>>
        tpu.enqueue_indirect_dma source(%dma_start3A_283 : memref<1000000x32xf32, #tpu.memory_space<hbm>>) target(%dma_start3A_278 : memref<128x32xf32, #tpu.memory_space<vmem>>) offsets(%dma_start3A_280 : memref<128xi32, #tpu.memory_space<vmem>>) semaphore(%arg9 : memref<!tpu.dma_semaphore, #tpu.memory_space<semaphore_mem>>)
        %dma_start3A_284 = arith.constant 128 : i32
        %dma_start3A_285 = arith.constant 0 : i32
        %dma_start3A_286 = tpu.memref_slice %arg7[%dma_start3A_284, %dma_start3A_285] : memref<1280x32xf32, #tpu.memory_space<vmem>> -> memref<128x32xf32, #tpu.memory_space<vmem>>
        %dma_start3A_287 = arith.constant 128 : i32
        %dma_start3A_288 = tpu.memref_slice %arg5[%dma_start3A_287] : memref<1280xi32, #tpu.memory_space<vmem>> -> memref<128xi32, #tpu.memory_space<vmem>>
        %dma_start3A_289 = arith.constant 0 : i32
        %dma_start3A_290 = arith.constant 0 : i32
        %dma_start3A_291 = tpu.memref_slice %arg2[%dma_start3A_289, %dma_start3A_290] : memref<1000000x32xf32, #tpu.memory_space<hbm>> -> memref<1000000x32xf32, #tpu.memory_space<hbm>>
        tpu.enqueue_indirect_dma source(%dma_start3A_291 : memref<1000000x32xf32, #tpu.memory_space<hbm>>) target(%dma_start3A_286 : memref<128x32xf32, #tpu.memory_space<vmem>>) offsets(%dma_start3A_288 : memref<128xi32, #tpu.memory_space<vmem>>) semaphore(%arg9 : memref<!tpu.dma_semaphore, #tpu.memory_space<semaphore_mem>>)
        %dma_start3A_292 = arith.constant 256 : i32
        %dma_start3A_293 = arith.constant 0 : i32
        %dma_start3A_294 = tpu.memref_slice %arg7[%dma_start3A_292, %dma_start3A_293] : memref<1280x32xf32, #tpu.memory_space<vmem>> -> memref<128x32xf32, #tpu.memory_space<vmem>>
        %dma_start3A_295 = arith.constant 256 : i32
        %dma_start3A_296 = tpu.memref_slice %arg5[%dma_start3A_295] : memref<1280xi32, #tpu.memory_space<vmem>> -> memref<128xi32, #tpu.memory_space<vmem>>
        %dma_start3A_297 = arith.constant 0 : i32
        %dma_start3A_298 = arith.constant 0 : i32
        %dma_start3A_299 = tpu.memref_slice %arg2[%dma_start3A_297, %dma_start3A_298] : memref<1000000x32xf32, #tpu.memory_space<hbm>> -> memref<1000000x32xf32, #tpu.memory_space<hbm>>
        tpu.enqueue_indirect_dma source(%dma_start3A_299 : memref<1000000x32xf32, #tpu.memory_space<hbm>>) target(%dma_start3A_294 : memref<128x32xf32, #tpu.memory_space<vmem>>) offsets(%dma_start3A_296 : memref<128xi32, #tpu.memory_space<vmem>>) semaphore(%arg9 : memref<!tpu.dma_semaphore, #tpu.memory_space<semaphore_mem>>)
        %dma_start3A_300 = arith.constant 384 : i32
        %dma_start3A_301 = arith.constant 0 : i32
        %dma_start3A_302 = tpu.memref_slice %arg7[%dma_start3A_300, %dma_start3A_301] : memref<1280x32xf32, #tpu.memory_space<vmem>> -> memref<128x32xf32, #tpu.memory_space<vmem>>
        %dma_start3A_303 = arith.constant 384 : i32
        %dma_start3A_304 = tpu.memref_slice %arg5[%dma_start3A_303] : memref<1280xi32, #tpu.memory_space<vmem>> -> memref<128xi32, #tpu.memory_space<vmem>>
        %dma_start3A_305 = arith.constant 0 : i32
        %dma_start3A_306 = arith.constant 0 : i32
        %dma_start3A_307 = tpu.memref_slice %arg2[%dma_start3A_305, %dma_start3A_306] : memref<1000000x32xf32, #tpu.memory_space<hbm>> -> memref<1000000x32xf32, #tpu.memory_space<hbm>>
        tpu.enqueue_indirect_dma source(%dma_start3A_307 : memref<1000000x32xf32, #tpu.memory_space<hbm>>) target(%dma_start3A_302 : memref<128x32xf32, #tpu.memory_space<vmem>>) offsets(%dma_start3A_304 : memref<128xi32, #tpu.memory_space<vmem>>) semaphore(%arg9 : memref<!tpu.dma_semaphore, #tpu.memory_space<semaphore_mem>>)
        %dma_start3A_308 = arith.constant 512 : i32
        %dma_start3A_309 = arith.constant 0 : i32
        %dma_start3A_310 = tpu.memref_slice %arg7[%dma_start3A_308, %dma_start3A_309] : memref<1280x32xf32, #tpu.memory_space<vmem>> -> memref<128x32xf32, #tpu.memory_space<vmem>>
        %dma_start3A_311 = arith.constant 512 : i32
        %dma_start3A_312 = tpu.memref_slice %arg5[%dma_start3A_311] : memref<1280xi32, #tpu.memory_space<vmem>> -> memref<128xi32, #tpu.memory_space<vmem>>
        %dma_start3A_313 = arith.constant 0 : i32
        %dma_start3A_314 = arith.constant 0 : i32
        %dma_start3A_315 = tpu.memref_slice %arg2[%dma_start3A_313, %dma_start3A_314] : memref<1000000x32xf32, #tpu.memory_space<hbm>> -> memref<1000000x32xf32, #tpu.memory_space<hbm>>
        tpu.enqueue_indirect_dma source(%dma_start3A_315 : memref<1000000x32xf32, #tpu.memory_space<hbm>>) target(%dma_start3A_310 : memref<128x32xf32, #tpu.memory_space<vmem>>) offsets(%dma_start3A_312 : memref<128xi32, #tpu.memory_space<vmem>>) semaphore(%arg9 : memref<!tpu.dma_semaphore, #tpu.memory_space<semaphore_mem>>)
        %dma_start3A_316 = arith.constant 640 : i32
        %dma_start3A_317 = arith.constant 0 : i32
        %dma_start3A_318 = tpu.memref_slice %arg7[%dma_start3A_316, %dma_start3A_317] : memref<1280x32xf32, #tpu.memory_space<vmem>> -> memref<128x32xf32, #tpu.memory_space<vmem>>
        %dma_start3A_319 = arith.constant 640 : i32
        %dma_start3A_320 = tpu.memref_slice %arg5[%dma_start3A_319] : memref<1280xi32, #tpu.memory_space<vmem>> -> memref<128xi32, #tpu.memory_space<vmem>>
        %dma_start3A_321 = arith.constant 0 : i32
        %dma_start3A_322 = arith.constant 0 : i32
        %dma_start3A_323 = tpu.memref_slice %arg2[%dma_start3A_321, %dma_start3A_322] : memref<1000000x32xf32, #tpu.memory_space<hbm>> -> memref<1000000x32xf32, #tpu.memory_space<hbm>>
        tpu.enqueue_indirect_dma source(%dma_start3A_323 : memref<1000000x32xf32, #tpu.memory_space<hbm>>) target(%dma_start3A_318 : memref<128x32xf32, #tpu.memory_space<vmem>>) offsets(%dma_start3A_320 : memref<128xi32, #tpu.memory_space<vmem>>) semaphore(%arg9 : memref<!tpu.dma_semaphore, #tpu.memory_space<semaphore_mem>>)
        %dma_start3A_324 = arith.constant 768 : i32
        %dma_start3A_325 = arith.constant 0 : i32
        %dma_start3A_326 = tpu.memref_slice %arg7[%dma_start3A_324, %dma_start3A_325] : memref<1280x32xf32, #tpu.memory_space<vmem>> -> memref<128x32xf32, #tpu.memory_space<vmem>>
        %dma_start3A_327 = arith.constant 768 : i32
        %dma_start3A_328 = tpu.memref_slice %arg5[%dma_start3A_327] : memref<1280xi32, #tpu.memory_space<vmem>> -> memref<128xi32, #tpu.memory_space<vmem>>
        %dma_start3A_329 = arith.constant 0 : i32
        %dma_start3A_330 = arith.constant 0 : i32
        %dma_start3A_331 = tpu.memref_slice %arg2[%dma_start3A_329, %dma_start3A_330] : memref<1000000x32xf32, #tpu.memory_space<hbm>> -> memref<1000000x32xf32, #tpu.memory_space<hbm>>
        tpu.enqueue_indirect_dma source(%dma_start3A_331 : memref<1000000x32xf32, #tpu.memory_space<hbm>>) target(%dma_start3A_326 : memref<128x32xf32, #tpu.memory_space<vmem>>) offsets(%dma_start3A_328 : memref<128xi32, #tpu.memory_space<vmem>>) semaphore(%arg9 : memref<!tpu.dma_semaphore, #tpu.memory_space<semaphore_mem>>)
        %dma_start3A_332 = arith.constant 896 : i32
        %dma_start3A_333 = arith.constant 0 : i32
        %dma_start3A_334 = tpu.memref_slice %arg7[%dma_start3A_332, %dma_start3A_333] : memref<1280x32xf32, #tpu.memory_space<vmem>> -> memref<128x32xf32, #tpu.memory_space<vmem>>
        %dma_start3A_335 = arith.constant 896 : i32
        %dma_start3A_336 = tpu.memref_slice %arg5[%dma_start3A_335] : memref<1280xi32, #tpu.memory_space<vmem>> -> memref<128xi32, #tpu.memory_space<vmem>>
        %dma_start3A_337 = arith.constant 0 : i32
        %dma_start3A_338 = arith.constant 0 : i32
        %dma_start3A_339 = tpu.memref_slice %arg2[%dma_start3A_337, %dma_start3A_338] : memref<1000000x32xf32, #tpu.memory_space<hbm>> -> memref<1000000x32xf32, #tpu.memory_space<hbm>>
        tpu.enqueue_indirect_dma source(%dma_start3A_339 : memref<1000000x32xf32, #tpu.memory_space<hbm>>) target(%dma_start3A_334 : memref<128x32xf32, #tpu.memory_space<vmem>>) offsets(%dma_start3A_336 : memref<128xi32, #tpu.memory_space<vmem>>) semaphore(%arg9 : memref<!tpu.dma_semaphore, #tpu.memory_space<semaphore_mem>>)
        %dma_start3A_340 = arith.constant 1024 : i32
        %dma_start3A_341 = arith.constant 0 : i32
        %dma_start3A_342 = tpu.memref_slice %arg7[%dma_start3A_340, %dma_start3A_341] : memref<1280x32xf32, #tpu.memory_space<vmem>> -> memref<128x32xf32, #tpu.memory_space<vmem>>
        %dma_start3A_343 = arith.constant 1024 : i32
        %dma_start3A_344 = tpu.memref_slice %arg5[%dma_start3A_343] : memref<1280xi32, #tpu.memory_space<vmem>> -> memref<128xi32, #tpu.memory_space<vmem>>
        %dma_start3A_345 = arith.constant 0 : i32
        %dma_start3A_346 = arith.constant 0 : i32
        %dma_start3A_347 = tpu.memref_slice %arg2[%dma_start3A_345, %dma_start3A_346] : memref<1000000x32xf32, #tpu.memory_space<hbm>> -> memref<1000000x32xf32, #tpu.memory_space<hbm>>
        tpu.enqueue_indirect_dma source(%dma_start3A_347 : memref<1000000x32xf32, #tpu.memory_space<hbm>>) target(%dma_start3A_342 : memref<128x32xf32, #tpu.memory_space<vmem>>) offsets(%dma_start3A_344 : memref<128xi32, #tpu.memory_space<vmem>>) semaphore(%arg9 : memref<!tpu.dma_semaphore, #tpu.memory_space<semaphore_mem>>)
        %dma_start3A_348 = arith.constant 1152 : i32
        %dma_start3A_349 = arith.constant 0 : i32
        %dma_start3A_350 = tpu.memref_slice %arg7[%dma_start3A_348, %dma_start3A_349] : memref<1280x32xf32, #tpu.memory_space<vmem>> -> memref<128x32xf32, #tpu.memory_space<vmem>>
        %dma_start3A_351 = arith.constant 1152 : i32
        %dma_start3A_352 = tpu.memref_slice %arg5[%dma_start3A_351] : memref<1280xi32, #tpu.memory_space<vmem>> -> memref<128xi32, #tpu.memory_space<vmem>>
        %dma_start3A_353 = arith.constant 0 : i32
        %dma_start3A_354 = arith.constant 0 : i32
        %dma_start3A_355 = tpu.memref_slice %arg2[%dma_start3A_353, %dma_start3A_354] : memref<1000000x32xf32, #tpu.memory_space<hbm>> -> memref<1000000x32xf32, #tpu.memory_space<hbm>>
        tpu.enqueue_indirect_dma source(%dma_start3A_355 : memref<1000000x32xf32, #tpu.memory_space<hbm>>) target(%dma_start3A_350 : memref<128x32xf32, #tpu.memory_space<vmem>>) offsets(%dma_start3A_352 : memref<128xi32, #tpu.memory_space<vmem>>) semaphore(%arg9 : memref<!tpu.dma_semaphore, #tpu.memory_space<semaphore_mem>>)
      } else {
      }
      %dma_wait3A_188 = arith.constant 0 : i32
      %dma_wait3A_189 = arith.constant 0 : i32
      %dma_wait3A_190 = tpu.memref_slice %arg8[%dma_wait3A_188, %dma_wait3A_189] : memref<1280x32xf32, #tpu.memory_space<vmem>> -> memref<128x32xf32, #tpu.memory_space<vmem>>
      %dma_wait3A_191 = arith.constant 0 : i32
      %dma_wait3A_192 = tpu.memref_slice %arg6[%dma_wait3A_191] : memref<1280xi32, #tpu.memory_space<vmem>> -> memref<128xi32, #tpu.memory_space<vmem>>
      %dma_wait3A_193 = arith.constant 0 : i32
      %dma_wait3A_194 = arith.constant 0 : i32
      %dma_wait3A_195 = tpu.memref_slice %arg2[%dma_wait3A_193, %dma_wait3A_194] : memref<1000000x32xf32, #tpu.memory_space<hbm>> -> memref<1000000x32xf32, #tpu.memory_space<hbm>>
      tpu.wait_indirect_dma semaphore(%arg10 : memref<!tpu.dma_semaphore, #tpu.memory_space<semaphore_mem>>) src(%dma_wait3A_195 : memref<1000000x32xf32, #tpu.memory_space<hbm>>) dst(%dma_wait3A_190 : memref<128x32xf32, #tpu.memory_space<vmem>>)
      %dma_wait3A_196 = arith.constant 128 : i32
      %dma_wait3A_197 = arith.constant 0 : i32
      %dma_wait3A_198 = tpu.memref_slice %arg8[%dma_wait3A_196, %dma_wait3A_197] : memref<1280x32xf32, #tpu.memory_space<vmem>> -> memref<128x32xf32, #tpu.memory_space<vmem>>
      %dma_wait3A_199 = arith.constant 128 : i32
      %dma_wait3A_200 = tpu.memref_slice %arg6[%dma_wait3A_199] : memref<1280xi32, #tpu.memory_space<vmem>> -> memref<128xi32, #tpu.memory_space<vmem>>
      %dma_wait3A_201 = arith.constant 0 : i32
      %dma_wait3A_202 = arith.constant 0 : i32
      %dma_wait3A_203 = tpu.memref_slice %arg2[%dma_wait3A_201, %dma_wait3A_202] : memref<1000000x32xf32, #tpu.memory_space<hbm>> -> memref<1000000x32xf32, #tpu.memory_space<hbm>>
      tpu.wait_indirect_dma semaphore(%arg10 : memref<!tpu.dma_semaphore, #tpu.memory_space<semaphore_mem>>) src(%dma_wait3A_203 : memref<1000000x32xf32, #tpu.memory_space<hbm>>) dst(%dma_wait3A_198 : memref<128x32xf32, #tpu.memory_space<vmem>>)
      %dma_wait3A_204 = arith.constant 256 : i32
      %dma_wait3A_205 = arith.constant 0 : i32
      %dma_wait3A_206 = tpu.memref_slice %arg8[%dma_wait3A_204, %dma_wait3A_205] : memref<1280x32xf32, #tpu.memory_space<vmem>> -> memref<128x32xf32, #tpu.memory_space<vmem>>
      %dma_wait3A_207 = arith.constant 256 : i32
      %dma_wait3A_208 = tpu.memref_slice %arg6[%dma_wait3A_207] : memref<1280xi32, #tpu.memory_space<vmem>> -> memref<128xi32, #tpu.memory_space<vmem>>
      %dma_wait3A_209 = arith.constant 0 : i32
      %dma_wait3A_210 = arith.constant 0 : i32
      %dma_wait3A_211 = tpu.memref_slice %arg2[%dma_wait3A_209, %dma_wait3A_210] : memref<1000000x32xf32, #tpu.memory_space<hbm>> -> memref<1000000x32xf32, #tpu.memory_space<hbm>>
      tpu.wait_indirect_dma semaphore(%arg10 : memref<!tpu.dma_semaphore, #tpu.memory_space<semaphore_mem>>) src(%dma_wait3A_211 : memref<1000000x32xf32, #tpu.memory_space<hbm>>) dst(%dma_wait3A_206 : memref<128x32xf32, #tpu.memory_space<vmem>>)
      %dma_wait3A_212 = arith.constant 384 : i32
      %dma_wait3A_213 = arith.constant 0 : i32
      %dma_wait3A_214 = tpu.memref_slice %arg8[%dma_wait3A_212, %dma_wait3A_213] : memref<1280x32xf32, #tpu.memory_space<vmem>> -> memref<128x32xf32, #tpu.memory_space<vmem>>
      %dma_wait3A_215 = arith.constant 384 : i32
      %dma_wait3A_216 = tpu.memref_slice %arg6[%dma_wait3A_215] : memref<1280xi32, #tpu.memory_space<vmem>> -> memref<128xi32, #tpu.memory_space<vmem>>
      %dma_wait3A_217 = arith.constant 0 : i32
      %dma_wait3A_218 = arith.constant 0 : i32
      %dma_wait3A_219 = tpu.memref_slice %arg2[%dma_wait3A_217, %dma_wait3A_218] : memref<1000000x32xf32, #tpu.memory_space<hbm>> -> memref<1000000x32xf32, #tpu.memory_space<hbm>>
      tpu.wait_indirect_dma semaphore(%arg10 : memref<!tpu.dma_semaphore, #tpu.memory_space<semaphore_mem>>) src(%dma_wait3A_219 : memref<1000000x32xf32, #tpu.memory_space<hbm>>) dst(%dma_wait3A_214 : memref<128x32xf32, #tpu.memory_space<vmem>>)
      %dma_wait3A_220 = arith.constant 512 : i32
      %dma_wait3A_221 = arith.constant 0 : i32
      %dma_wait3A_222 = tpu.memref_slice %arg8[%dma_wait3A_220, %dma_wait3A_221] : memref<1280x32xf32, #tpu.memory_space<vmem>> -> memref<128x32xf32, #tpu.memory_space<vmem>>
      %dma_wait3A_223 = arith.constant 512 : i32
      %dma_wait3A_224 = tpu.memref_slice %arg6[%dma_wait3A_223] : memref<1280xi32, #tpu.memory_space<vmem>> -> memref<128xi32, #tpu.memory_space<vmem>>
      %dma_wait3A_225 = arith.constant 0 : i32
      %dma_wait3A_226 = arith.constant 0 : i32
      %dma_wait3A_227 = tpu.memref_slice %arg2[%dma_wait3A_225, %dma_wait3A_226] : memref<1000000x32xf32, #tpu.memory_space<hbm>> -> memref<1000000x32xf32, #tpu.memory_space<hbm>>
      tpu.wait_indirect_dma semaphore(%arg10 : memref<!tpu.dma_semaphore, #tpu.memory_space<semaphore_mem>>) src(%dma_wait3A_227 : memref<1000000x32xf32, #tpu.memory_space<hbm>>) dst(%dma_wait3A_222 : memref<128x32xf32, #tpu.memory_space<vmem>>)
      %dma_wait3A_228 = arith.constant 640 : i32
      %dma_wait3A_229 = arith.constant 0 : i32
      %dma_wait3A_230 = tpu.memref_slice %arg8[%dma_wait3A_228, %dma_wait3A_229] : memref<1280x32xf32, #tpu.memory_space<vmem>> -> memref<128x32xf32, #tpu.memory_space<vmem>>
      %dma_wait3A_231 = arith.constant 640 : i32
      %dma_wait3A_232 = tpu.memref_slice %arg6[%dma_wait3A_231] : memref<1280xi32, #tpu.memory_space<vmem>> -> memref<128xi32, #tpu.memory_space<vmem>>
      %dma_wait3A_233 = arith.constant 0 : i32
      %dma_wait3A_234 = arith.constant 0 : i32
      %dma_wait3A_235 = tpu.memref_slice %arg2[%dma_wait3A_233, %dma_wait3A_234] : memref<1000000x32xf32, #tpu.memory_space<hbm>> -> memref<1000000x32xf32, #tpu.memory_space<hbm>>
      tpu.wait_indirect_dma semaphore(%arg10 : memref<!tpu.dma_semaphore, #tpu.memory_space<semaphore_mem>>) src(%dma_wait3A_235 : memref<1000000x32xf32, #tpu.memory_space<hbm>>) dst(%dma_wait3A_230 : memref<128x32xf32, #tpu.memory_space<vmem>>)
      %dma_wait3A_236 = arith.constant 768 : i32
      %dma_wait3A_237 = arith.constant 0 : i32
      %dma_wait3A_238 = tpu.memref_slice %arg8[%dma_wait3A_236, %dma_wait3A_237] : memref<1280x32xf32, #tpu.memory_space<vmem>> -> memref<128x32xf32, #tpu.memory_space<vmem>>
      %dma_wait3A_239 = arith.constant 768 : i32
      %dma_wait3A_240 = tpu.memref_slice %arg6[%dma_wait3A_239] : memref<1280xi32, #tpu.memory_space<vmem>> -> memref<128xi32, #tpu.memory_space<vmem>>
      %dma_wait3A_241 = arith.constant 0 : i32
      %dma_wait3A_242 = arith.constant 0 : i32
      %dma_wait3A_243 = tpu.memref_slice %arg2[%dma_wait3A_241, %dma_wait3A_242] : memref<1000000x32xf32, #tpu.memory_space<hbm>> -> memref<1000000x32xf32, #tpu.memory_space<hbm>>
      tpu.wait_indirect_dma semaphore(%arg10 : memref<!tpu.dma_semaphore, #tpu.memory_space<semaphore_mem>>) src(%dma_wait3A_243 : memref<1000000x32xf32, #tpu.memory_space<hbm>>) dst(%dma_wait3A_238 : memref<128x32xf32, #tpu.memory_space<vmem>>)
      %dma_wait3A_244 = arith.constant 896 : i32
      %dma_wait3A_245 = arith.constant 0 : i32
      %dma_wait3A_246 = tpu.memref_slice %arg8[%dma_wait3A_244, %dma_wait3A_245] : memref<1280x32xf32, #tpu.memory_space<vmem>> -> memref<128x32xf32, #tpu.memory_space<vmem>>
      %dma_wait3A_247 = arith.constant 896 : i32
      %dma_wait3A_248 = tpu.memref_slice %arg6[%dma_wait3A_247] : memref<1280xi32, #tpu.memory_space<vmem>> -> memref<128xi32, #tpu.memory_space<vmem>>
      %dma_wait3A_249 = arith.constant 0 : i32
      %dma_wait3A_250 = arith.constant 0 : i32
      %dma_wait3A_251 = tpu.memref_slice %arg2[%dma_wait3A_249, %dma_wait3A_250] : memref<1000000x32xf32, #tpu.memory_space<hbm>> -> memref<1000000x32xf32, #tpu.memory_space<hbm>>
      tpu.wait_indirect_dma semaphore(%arg10 : memref<!tpu.dma_semaphore, #tpu.memory_space<semaphore_mem>>) src(%dma_wait3A_251 : memref<1000000x32xf32, #tpu.memory_space<hbm>>) dst(%dma_wait3A_246 : memref<128x32xf32, #tpu.memory_space<vmem>>)
      %dma_wait3A_252 = arith.constant 1024 : i32
      %dma_wait3A_253 = arith.constant 0 : i32
      %dma_wait3A_254 = tpu.memref_slice %arg8[%dma_wait3A_252, %dma_wait3A_253] : memref<1280x32xf32, #tpu.memory_space<vmem>> -> memref<128x32xf32, #tpu.memory_space<vmem>>
      %dma_wait3A_255 = arith.constant 1024 : i32
      %dma_wait3A_256 = tpu.memref_slice %arg6[%dma_wait3A_255] : memref<1280xi32, #tpu.memory_space<vmem>> -> memref<128xi32, #tpu.memory_space<vmem>>
      %dma_wait3A_257 = arith.constant 0 : i32
      %dma_wait3A_258 = arith.constant 0 : i32
      %dma_wait3A_259 = tpu.memref_slice %arg2[%dma_wait3A_257, %dma_wait3A_258] : memref<1000000x32xf32, #tpu.memory_space<hbm>> -> memref<1000000x32xf32, #tpu.memory_space<hbm>>
      tpu.wait_indirect_dma semaphore(%arg10 : memref<!tpu.dma_semaphore, #tpu.memory_space<semaphore_mem>>) src(%dma_wait3A_259 : memref<1000000x32xf32, #tpu.memory_space<hbm>>) dst(%dma_wait3A_254 : memref<128x32xf32, #tpu.memory_space<vmem>>)
      %dma_wait3A_260 = arith.constant 1152 : i32
      %dma_wait3A_261 = arith.constant 0 : i32
      %dma_wait3A_262 = tpu.memref_slice %arg8[%dma_wait3A_260, %dma_wait3A_261] : memref<1280x32xf32, #tpu.memory_space<vmem>> -> memref<128x32xf32, #tpu.memory_space<vmem>>
      %dma_wait3A_263 = arith.constant 1152 : i32
      %dma_wait3A_264 = tpu.memref_slice %arg6[%dma_wait3A_263] : memref<1280xi32, #tpu.memory_space<vmem>> -> memref<128xi32, #tpu.memory_space<vmem>>
      %dma_wait3A_265 = arith.constant 0 : i32
      %dma_wait3A_266 = arith.constant 0 : i32
      %dma_wait3A_267 = tpu.memref_slice %arg2[%dma_wait3A_265, %dma_wait3A_266] : memref<1000000x32xf32, #tpu.memory_space<hbm>> -> memref<1000000x32xf32, #tpu.memory_space<hbm>>
      tpu.wait_indirect_dma semaphore(%arg10 : memref<!tpu.dma_semaphore, #tpu.memory_space<semaphore_mem>>) src(%dma_wait3A_267 : memref<1000000x32xf32, #tpu.memory_space<hbm>>) dst(%dma_wait3A_262 : memref<128x32xf32, #tpu.memory_space<vmem>>)
      %mul3A_268 = arith.constant 1280 : i32
      %mul3A_269 = arith.muli %add3A_180, %mul3A_268 : i32
      %add3A_270 = arith.addi %mul3A_2, %mul3A_269 : i32
      "tpu.region"() ({
        %run_scoped3A = tpu.sem_alloc : memref<!tpu.dma_semaphore, #tpu.memory_space<semaphore_mem>>
        %dma_start3A_271 = arith.constant 0 : i32
        %dma_start3A_272 = tpu.memref_slice %arg4[%add3A_270, %dma_start3A_271] : memref<819200x32xf32, #tpu.memory_space<hbm>> -> memref<1280x32xf32, #tpu.memory_space<hbm>>
        %dma_start3A_273 = arith.constant 0 : i32
        %dma_start3A_274 = tpu.memref_slice %arg4[%add3A_270, %dma_start3A_273] : memref<819200x32xf32, #tpu.memory_space<hbm>> -> memref<1280x32xf32, #tpu.memory_space<hbm>>
        tpu.enqueue_dma source(%arg8 : memref<1280x32xf32, #tpu.memory_space<vmem>>) target(%dma_start3A_274 : memref<1280x32xf32, #tpu.memory_space<hbm>>) target_semaphore(%run_scoped3A : memref<!tpu.dma_semaphore, #tpu.memory_space<semaphore_mem>>)
        %dma_wait3A_275 = arith.constant 0 : i32
        %dma_wait3A_276 = tpu.memref_slice %arg4[%add3A_270, %dma_wait3A_275] : memref<819200x32xf32, #tpu.memory_space<hbm>> -> memref<1280x32xf32, #tpu.memory_space<hbm>>
        %dma_wait3A_277 = arith.constant 0 : i32
        %dma_wait3A_278 = tpu.memref_slice %arg4[%add3A_270, %dma_wait3A_277] : memref<819200x32xf32, #tpu.memory_space<hbm>> -> memref<1280x32xf32, #tpu.memory_space<hbm>>
        tpu.wait_dma2 semaphore(%run_scoped3A : memref<!tpu.dma_semaphore, #tpu.memory_space<semaphore_mem>>) src(%arg8 : memref<1280x32xf32, #tpu.memory_space<vmem>>) dst(%dma_wait3A_278 : memref<1280x32xf32, #tpu.memory_space<hbm>>)
        tpu.yield
      }) : () -> ()
    }
    %scan3A_85 = arith.constant 10 : i32
    return
  }
}

</mosaic_0001>

<sc_bundles>
// kernel: _emb_lookup.3.cloned.1.call-start
scs
__scs_entry_jumppad:
0x0: {  	(pc) =	sbr.rel $0x88, $3  }
0x1: {  	(tag) =	ssettag $0x0;
	lr =	simm.s32 $0x1  }
0x2: {  	[smem:$0x3F9F] =	sst lr;
	_ =	strace $0xD0000000  }
0x3: {  	_ = 	snop  }
0x4: {  	_ = 	snop  }
0x5: {  	_ = 	snop  }
0x6: {  	_ = 	snop  }
0x7: {  	_ = 	snop  }
__scs_overlays_trampoline_lowered:
0x8: {  	[smem:$0x3FAE] =	sst s0  }
0x9: {  	[smem:$0x3FAF] =	sst s1  }
0xa: {  	[smem:$0x3FB0] =	sst s2  }
0xb: {  	[smem:$0x3FB1] =	sst s3  }
0xc: {  	[smem:$0x3FB2] =	sst s4  }
0xd: {  	[smem:$0x3FB3] =	sst s5  }
0xe: {  	[smem:$0x3FB4] =	sst s6  }
0xf: {  	[smem:$0x3FB5] =	sst s7  }
0x10: {  	[smem:$0x3FB6] =	sst s8  }
0x11: {  	[smem:$0x3FB7] =	sst s9;
	s0 =	simm.s32 @!p0 $0x0  }
0x12: {  	s1 =	sld [smem:$0x3F9D];
	s0 =	simm.s32 @p0 $0x1  }
0x13: {  	[smem:$0x3FB8] =	sst s0;
	s0 =	simm.s32 @!p1 $0x0  }
0x14: {  	s2 =	sld [smem:$0x3F9C];
	s0 =	simm.s32 @p1 $0x1  }
0x15: {  	[smem:$0x3FB9] =	sst s0;
	s0 =	simm.s32 @!p2 $0x0  }
0x16: {  	s3 =	sld [smem:$0x3FDB];
	s0 =	simm.s32 @p2 $0x1  }
0x17: {  	s4 =	simm.s32 $0x1BF5;
	[smem:$0x3FBB] =	sst s0  }
0x18: {  	s0 =	sld [smem:$0x3F9E];
	_ =	swait.ge [sflag:s4], $0x0  }
0x19: {  	s7 =	sld [smem:$0x3F9F]  }
0x1a: {  	s8 =	sadd.s32 $0xFFFFE003, lr  }
0x1b: {  	s9 =	sadd.s32 $0xFFFFFEF7, lr;
	s5 =	simm.s32 $0xFFFFFFFF;
	p2 =	slt.u32 s8, $0xFFFFF086  }
0x1c: {  	p1 =	slt.u32 s9, $0xF7A;
	s5 =	simm.s32 @!p2 $0x0  }
0x1d: {  	s5 =	simm.s32 @p1 $0x1;
	p0 =	seq.s32 s7, s2  }
0x1e: {  	s7 =	smul.u32 @!p0 $0xF7A, s2;
	p2 =	seq.s32 @!p0 s5, $0x0  }
0x1f: {  	s9 =	smul.u32 $0xF7A, s1;
	s8 =	simm.s32 @!p0 $0x1BF5;
	p2 =	por !p2, p0  }
0x20: {  	[sflag:s8] =	ssyncset.s32 @!p0 $0xFFFFF086;
	s6 =	sadd.s32 @!p0 s3, s7;
	s7 =	simm.s32 @!p0 $0x108  }
0x21: {  	s3 =	sadd.s32 s3, s9;
	s6 =	sadd.s32 @!p0 $0x88, s6;
	s7 =	simm.s32 @p2 $0x1082  }
0x22: {  	[simem:s7], [sflag:s8] =	dma.local @!p0 [hbm:s6], $0xF7A  }
0x23: {  	s9 =	sor.u32 $0xD0000000, s2;
	s6 =	simm.s32 $0x108;
	_ =	swait.ge @!p0 [sflag:s8], $0x0  }
0x24: {  	s3 =	sadd.s32 $0x88, s3;
	s6 =	simm.s32 @!p1 $0x1082;
	[sflag:s4] =	ssyncset.s32 $0xFFFFF086  }
0x25: {  	[simem:s6], [sflag:s4] =	dma.local [hbm:s3], $0xF7A  }
0x26: {  	[smem:$0x3F9F] =	sst s1;
	(tag) =	ssettag s2;
	_ =	strace s9  }
0x27: {  	s1 =	sld [smem:$0x3FAF]  }
0x28: {  	s2 =	sld [smem:$0x3FB0]  }
0x29: {  	s4 =	sld [smem:$0x3FB2]  }
0x2a: {  	p0 =	seq.s32 s5, $0x0;
	s5 =	sld [smem:$0x3FB3]  }
0x2b: {  	s6 =	sld [smem:$0x3FB4]  }
0x2c: {  	s7 =	sld [smem:$0x3FB5]  }
0x2d: {  	s3 =	simm.s32 $0x108;
	s8 =	sld [smem:$0x3FB6]  }
0x2e: {  	s3 =	simm.s32 @!p0 $0x1082;
	s9 =	sld [smem:$0x3FB7]  }
0x2f: {  	lr =	sadd.s32 s0, s3;
	s0 =	sld [smem:$0x3FAE]  }
0x30: {  	s3 =	sld [smem:$0x3FB1]  }
0x31: {  	[smem:$0x3FBA] =	sst s10  }
0x32: {  	s10 =	sld [smem:$0x3FB8];
	_ =	sdelay $0x3  }
0x33: {  	p0 =	seq.s32 s10, $0x1;
	s10 =	sld [smem:$0x3FBA];
	_ =	sdelay $0x3  }
0x34: {  	[smem:$0x3FBA] =	sst s10  }
0x35: {  	s10 =	sld [smem:$0x3FB9];
	_ =	sdelay $0x3  }
0x36: {  	p1 =	seq.s32 s10, $0x1;
	s10 =	sld [smem:$0x3FBA];
	_ =	sdelay $0x3  }
0x37: {  	[smem:$0x3FBA] =	sst s10  }
0x38: {  	s10 =	sld [smem:$0x3FBB]  }
0x39: {  	_ = 	snop;
	(pc) =	sbr.ind lr, $3  }
0x3a: {  	_ = 	snop  }
0x3b: {  	_ = 	snop  }
0x3c: {  	p2 =	seq.s32 s10, $0x1;
	s10 =	sld [smem:$0x3FBA]  }
0x3d: {  	_ =	shalt  }
0x3e: {  	_ =	shalt  }
0x3f: {  	_ =	shalt  }
0x40: {  	_ =	shalt  }
0x41: {  	_ =	shalt  }
0x42: {  	_ =	shalt  }
0x43: {  	_ =	shalt  }
0x44: {  	_ =	shalt  }
0x45: {  	_ =	shalt  }
0x46: {  	_ =	shalt  }
0x47: {  	_ =	shalt  }
0x48: {  	_ =	shalt  }
0x49: {  	_ =	shalt  }
0x4a: {  	_ =	shalt  }
0x4b: {  	_ =	shalt  }
0x4c: {  	_ =	shalt  }
0x4d: {  	_ =	shalt  }
0x4e: {  	_ =	shalt  }
0x4f: {  	_ =	shalt  }
0x50: {  	_ =	shalt  }
0x51: {  	_ =	shalt  }
0x52: {  	_ =	shalt  }
0x53: {  	_ =	shalt  }
0x54: {  	_ =	shalt  }
0x55: {  	_ =	shalt  }
0x56: {  	_ =	shalt  }
0x57: {  	_ =	shalt  }
0x58: {  	_ =	shalt  }
0x59: {  	_ =	shalt  }
0x5a: {  	_ =	shalt  }
0x5b: {  	_ =	shalt  }
0x5c: {  	_ =	shalt  }
0x5d: {  	_ =	shalt  }
0x5e: {  	_ =	shalt  }
0x5f: {  	_ =	shalt  }
0x60: {  	_ =	shalt  }
0x61: {  	_ =	shalt  }
0x62: {  	_ =	shalt  }
0x63: {  	_ =	shalt  }
0x64: {  	_ =	shalt  }
0x65: {  	_ =	shalt  }
0x66: {  	_ =	shalt  }
0x67: {  	_ =	shalt  }
0x68: {  	_ =	shalt  }
0x69: {  	_ =	shalt  }
0x6a: {  	_ =	shalt  }
0x6b: {  	_ =	shalt  }
0x6c: {  	_ =	shalt  }
0x6d: {  	_ =	shalt  }
0x6e: {  	_ =	shalt  }
0x6f: {  	_ =	shalt  }
0x70: {  	_ =	shalt  }
0x71: {  	_ =	shalt  }
0x72: {  	_ =	shalt  }
0x73: {  	_ =	shalt  }
0x74: {  	_ =	shalt  }
0x75: {  	_ =	shalt  }
0x76: {  	_ =	shalt  }
0x77: {  	_ =	shalt  }
0x78: {  	_ =	shalt  }
0x79: {  	_ =	shalt  }
0x7a: {  	_ =	shalt  }
0x7b: {  	_ =	shalt  }
0x7c: {  	_ =	shalt  }
0x7d: {  	_ =	shalt  }
0x7e: {  	_ =	shalt  }
0x7f: {  	_ =	shalt  }
0x80: {  	_ =	shalt  }
0x81: {  	_ =	shalt  }
0x82: {  	_ =	shalt  }
0x83: {  	_ =	shalt  }
0x84: {  	_ =	shalt  }
0x85: {  	_ =	shalt  }
0x86: {  	_ =	shalt  }
0x87: {  	_ =	shalt  }
.Lfunc_end0:
.L_simem_size_0:
called_computation.1_lowered:
.L_overlay_start_0:
0x88: {  	s2 =	sld [smem:$0x3FD9]  }
0x89: {  	s3 =	sld [smem:$0x3FFE];
	_ =	sdelay $0x1  }
0x8a: {  	s1 =	srdreg.scid  }
0x8b: {  	s0 =	sand.u32 $0x1, s1  }
0x8c: {  	s17 =	sshll.u32 s0, $0xA;
	s2 =	sadd.s32 s3, s2  }
0x8d: {  	s2 =	sadd.s32 s2, s17  }
0x8e: {  	[smem:$0x3FC6] =	sst s2  }
0x8f: {  	_ = 	snop  }
0x90: {  	s2 =	sld [smem:$0x3FC8]  }
0x91: {  	s18 =	sld [smem:$0x3FD0];
	(tm) =	ssettm $0x1  }
0x92: {  	s4 =	sld [smem:$0x3FFB];
	_ =	sdelay $0x3  }
0x93: {  	_ =	strace s4  }
0x94: {  	s4 =	sld [smem:$0x3FFC];
	_ =	sdelay $0x3  }
0x95: {  	_ =	strace s4  }
0x96: {  	s4 =	sld [smem:$0x3FFD];
	_ =	sdelay $0x3  }
0x97: {  	_ =	strace s4  }
0x98: {  	_ =	strace $0x8FFFFFFF  }
0x99: {  	s19 =	sld [smem:$0x3FDB];
	_ =	sdelay $0x1  }
0x9a: {  	s5 =	simm.s32 $_scs_section_size  }
0x9b: {  	s6 =	simm.s32 $_size__tile_overlayer_lowered;
	s7 =	simm.s32 $_tile_overlayer_lowered  }
0x9c: {  	s22 =	simm.s32 $0x1BFF;
	s21 =	sshll.u32 s7, $0x1;
	s4 =	sadd.s32 s5, s19  }
0x9d: {  	s8 =	simm.s32 $0x0;
	s20 =	sshll.u32 s6, $0x1;
	s6 =	sadd.s32 s21, s4  }
0x9e: {  	[timem:s8], [sflag:s22] =	dma.local [hbm:s6], s20  }
0x9f: {  	_ =	swait.ge [sflag:s22], s20  }
0xa0: {  	s5 =	ssub.s32 $0x0, s20;
	[sflag:s22] =	ssyncset.done $0x0  }
0xa1: {  	[sflag:s22] =	ssyncadd.s32 s5;
	_ =	sdelay $0x1  }
0xa2: {  	s23 =	simm.s32 $0x1B8B  }
0xa3: {  	_ =	swait.ge [sflag:s23], $0x1  }
0xa4: {  	[sflag:s23] =	ssyncset.done $0x0  }
0xa5: {  	s25 =	simm.s32 $0x1B8E;
	s24 =	sld [smem:$0x3FFE];
	[sflag:s23] =	ssyncadd.s32 $0xFFFFFFFF  }
0xa6: {  	s26 =	simm.s32 $execute0_lowered;
	[smem:$0x3FD2] =	sst s25  }
0xa7: {  	s6 =	sshll.u32 s26, $0x1;
	_ =	strace $0x80000046;
	[dreg:$0x1] =	wrdreg $0xFFFFFFFF  }
0xa8: {  	s28 =	simm.s32 $_size_execute0_lowered;
	s4 =	sadd.s32 s4, s6;
	[dreg:$0x0] =	wrdreg $0x0  }
0xa9: {  	s6 =	sshll.u32 s28, $0x1;
	[dreg:$0x2] =	wrdreg s4  }
0xaa: {  	[dreg:$0x3] =	wrdreg s6  }
0xab: {  	[dreg:$0x4] =	wrdreg $0xC0  }
0xac: {  	_ =	task [dreg:s8], $0x5FFFF  }
0xad: {  	[dreg:$0x1] =	wrdreg $0xFFFFFFFF  }
0xae: {  	[dreg:$0x0] =	wrdreg $0x60  }
0xaf: {  	[dreg:$0x2] =	wrdreg s24  }
0xb0: {  	[dreg:$0x3] =	wrdreg s2  }
0xb1: {  	[dreg:$0x4] =	wrdreg s18  }
0xb2: {  	[dreg:$0x5] =	wrdreg $0x9  }
0xb3: {  	_ =	task.clear_ibuf [dreg:s8], $0x6FFFF;
	_ =	strace $0x90000046  }
0xb4: {  	s29 =	simm.s32 $0x9;
	_ =	strace $0x80000048  }
0xb5: {  	_ =	swait.ge [sflag:s29], $0x1  }
0xb6: {  	[sflag:s29] =	ssyncadd.s32 $0xFFFFFFFF  }
0xb7: {  	_ =	strace $0x90000048  }
0xb8: {  	_ =	sfence  }
0xb9: {  	s30 =	sld [smem:$0x0];
	_ =	sdelay $0x2  }
0xba: {  	s31 =	sshll.u32 s1, $0xD;
	s1 =	sshrl.u32 s1, $0x2  }
0xbb: {  	s3 =	sand.u32 $0x4000, s31;
	s1 =	sadd.s32 s1, s30  }
0xbc: {  	s0 =	sor.u32 s3, s0;
	s1 =	sshll.u32 s1, $0x11  }
0xbd: {  	s0 =	sor.u32 s1, s0  }
0xbe: {  	s0 =	sadd.s32 $0x8F2B, s0  }
0xbf: {  	[sflag:s0] =	ssyncadd.remote.s32 $0x1  }
0xc0: {  	_ =	sfence.sel $0xFFFF  }
0xc1: {  	[dreg:$0x0] =	wrdreg $0xFFFFFFFF;
	(pc) =	sbr.abs _section_cstart, $3  }
0xc2: {  	[dreg:$0x1] =	wrdreg $0xFFFFFFFF  }
0xc3: {  	_ =	task.clear_ibuf [dreg:s8], $0x2FFFF;
	_ =	strace $0x9FFFFFFF  }
0xc4: {  	(tm) =	ssettm $0x7FFFFFFF  }
0xc5: {  	_ =	shalt  }
tec
execute0_lowered:
.L_overlay_start_1:
0x0: {  	(tag) =	ssettag $0x1  }
0x1: {  	s0 =	rddreg [dreg:$0x0];
	s1 =	srdreg.scid  }
0x2: {  	s9 =	stileid.u32;
	s2 =	rddreg [dreg:$0x1]  }
0x3: {  	s6 =	rddreg [dreg:$0x2];
	s11 =	simm.s32 $0x600;
	s12 =	simm.s32 $0xCA00  }
0x4: {  	s13 =	simm.s32 $0x680;
	s14 =	simm.s32 $0xDA00;
	s15 =	simm.s32 $0x700  }
0x5: {  	s17 =	simm.s32 $0xEA00;
	s1 =	sand.u32 $0x1, s1;
	s3 =	sshll.u32 s9, $0x1  }
0x6: {  	s18 =	simm.s32 $0x780;
	s4 =	sor.u32 s1, s3;
	s3 =	simm.s32 $0x0  }
0x7: {  	s19 =	simm.s32 $0xFA00;
	s20 =	simm.s32 $0x800;
	[smem:$0x7FF] =	sst s3  }
0x8: {  	s21 =	simm.s32 $0x10A00;
	_ =	strace $0x80000047;
	[dreg:$0x8] =	wrdreg s11  }
0x9: {  	s22 =	simm.s32 $0x880;
	s7 =	smul.u32 $0xC800, s9;
	[dreg:$0x9] =	wrdreg s12  }
0xa: {  	s29 =	simm.s32 $0x9A00;
	s9 =	smul.u32 $0x32000, s9;
	[dreg:$0xa] =	wrdreg s13  }
0xb: {  	s30 =	simm.s32 $0x500;
	s8 =	smul.u32 $0x6400, s1;
	[dreg:$0xb] =	wrdreg s14  }
0xc: {  	s23 =	ssub.s32 $0x2, s1;
	s1 =	smul.u32 $0x19000, s1;
	[dreg:$0xc] =	wrdreg s15  }
0xd: {  	s31 =	simm.s32 $0xAA00;
	s5 =	smul.u32 $0x6400, s4;
	[dreg:$0xd] =	wrdreg s17  }
0xe: {  	s4 =	sadd.s32 $0xF42C00, s0;
	s10 =	sshrl.u32 s23, $0x1;
	[dreg:$0xe] =	wrdreg s18  }
0xf: {  	s24 =	sadd.s32 s9, s6;
	s9 =	simm.s32 $0x3;
	[dreg:$0xf] =	wrdreg s19  }
0x10: {  	s7 =	sadd.s32 s8, s7;
	s0 =	ssub.s32 s23, s10;
	[dreg:$0x10] =	wrdreg s20  }
0x11: {  	s1 =	sadd.s32 s1, s24;
	s8 =	simm.s32 $0xBA00;
	[dreg:$0x11] =	wrdreg s21  }
0x12: {  	s11 =	simm.s32 $0xA00;
	[dreg:$0x12] =	wrdreg s22;
	s23 =	simm.s32 $0x11A00  }
0x13: {  	s24 =	simm.s32 $0x900;
	s12 =	simm.s32 $0x0;
	[dreg:$0x4] =	wrdreg s1  }
0x14: {  	s25 =	sadd.s32 $0x500, s7;
	s5 =	sshrl.u32 s5, $0x3;
	[dreg:$0x7] =	wrdreg s8  }
0x15: {  	s1 =	simm.s32 $0x580;
	s16 =	sadd.s32 $0xA00, s7;
	[dreg:$0x13] =	wrdreg s23  }
0x16: {  	[dreg:$0x14] =	wrdreg s24;
	s26 =	sshll.u32 s25, $0x2;
	s5 =	sadd.s32 s2, s5  }
0x17: {  	[dreg:$0x6] =	wrdreg s1;
	s10 =	sshrl.u32 s25, $0x3;
	s25 =	simm.s32 $0x12A00  }
0x18: {  	s1 =	simm.s32 $0x1;
	s28 =	sadd.s32 s26, s6;
	[dreg:$0x15] =	wrdreg s25  }
0x19: {  	s6 =	smax.u32 s0, $0x1;
	s26 =	simm.s32 $0x980;
	[dreg:$0x5] =	wrdreg s28  }
0x1a: {  	s8 =	sadd.s32 s10, s2;
	[dreg:$0x16] =	wrdreg s26;
	s28 =	simm.s32 $0x13A00  }
0x1b: {  	s10 =	simm.s32 $0x80;
	s0 =	simm.s32 $0x2;
	[dreg:$0x17] =	wrdreg s28  }
.LBB2_1:
0x1c: {  	[tilespmem:s3], [sflag:$0x3] =	stream.linear.gather [hbm4b:s5+s3], $0x500, $0x38;
	[tilespmem:$0x14A00] =	vst v63  }
0x1d: {  	_ =	swait.ge [sflag:s9], $0x500  }
0x1e: {  	[sflag:s9] =	ssyncset.done $0x0  }
0x1f: {  	[sflag:s9] =	ssyncadd.s32 $0xFFFFFB00  }
0x20: {  	[tilespmem:s11], [sflag:$0x1] =	stream.indirect.gather [hbm4b:s4+s10], $0x20, s3, s10, $0xb8;
	[tilespmem:$0x14A00] =	vst v63  }
0x21: {  	s7 =	simm.s32 $0x1A00  }
0x22: {  	[tilespmem:s7], [sflag:$0x1] =	stream.indirect.gather [hbm4b:s4+s10], $0x20, s10, s10, $0xb8;
	[tilespmem:$0x14A00] =	vst v63  }
0x23: {  	s21 =	simm.s32 $0x100;
	s13 =	simm.s32 $0x2A00  }
0x24: {  	[tilespmem:s13], [sflag:$0x1] =	stream.indirect.gather [hbm4b:s4+s10], $0x20, s21, s10, $0xb8;
	[tilespmem:$0x14A00] =	vst v63  }
0x25: {  	s22 =	simm.s32 $0x180;
	s23 =	simm.s32 $0x3A00  }
0x26: {  	[tilespmem:s23], [sflag:$0x1] =	stream.indirect.gather [hbm4b:s4+s10], $0x20, s22, s10, $0xb8;
	[tilespmem:$0x14A00] =	vst v63  }
0x27: {  	s24 =	simm.s32 $0x200;
	s25 =	simm.s32 $0x4A00  }
0x28: {  	[tilespmem:s25], [sflag:$0x1] =	stream.indirect.gather [hbm4b:s4+s10], $0x20, s24, s10, $0xb8;
	[tilespmem:$0x14A00] =	vst v63  }
0x29: {  	s26 =	simm.s32 $0x280;
	s28 =	simm.s32 $0x5A00  }
0x2a: {  	[tilespmem:s28], [sflag:$0x1] =	stream.indirect.gather [hbm4b:s4+s10], $0x20, s26, s10, $0xb8;
	[tilespmem:$0x14A00] =	vst v63  }
0x2b: {  	s14 =	simm.s32 $0x300;
	s15 =	simm.s32 $0x6A00  }
0x2c: {  	[tilespmem:s15], [sflag:$0x1] =	stream.indirect.gather [hbm4b:s4+s10], $0x20, s14, s10, $0xb8;
	[tilespmem:$0x14A00] =	vst v63  }
0x2d: {  	s17 =	simm.s32 $0x380;
	s18 =	simm.s32 $0x7A00  }
0x2e: {  	[tilespmem:s18], [sflag:$0x1] =	stream.indirect.gather [hbm4b:s4+s10], $0x20, s17, s10, $0xb8;
	[tilespmem:$0x14A00] =	vst v63  }
0x2f: {  	s19 =	simm.s32 $0x400;
	s20 =	simm.s32 $0x8A00  }
0x30: {  	[tilespmem:s20], [sflag:$0x1] =	stream.indirect.gather [hbm4b:s4+s10], $0x20, s19, s10, $0xb8;
	[tilespmem:$0x14A00] =	vst v63  }
0x31: {  	s21 =	simm.s32 $0x480  }
0x32: {  	[tilespmem:s29], [sflag:$0x1] =	stream.indirect.gather [hbm4b:s4+s10], $0x20, s21, s10, $0xb8;
	[tilespmem:$0x14A00] =	vst v63  }
0x33: {  	_ = 	snop  }
0x34: {  	[tilespmem:s30], [sflag:$0x3] =	stream.linear.gather [hbm4b:s8+s3], $0x500, $0x38;
	[tilespmem:$0x14A00] =	vst v63  }
0x35: {  	_ =	swait.ge [sflag:s9], $0x500  }
0x36: {  	s22 =	rddreg [dreg:$0x8]  }
0x37: {  	s23 =	rddreg [dreg:$0x6]  }
0x38: {  	s14 =	rddreg [dreg:$0x7]  }
0x39: {  	s15 =	rddreg [dreg:$0x9]  }
0x3a: {  	s24 =	rddreg [dreg:$0xa]  }
0x3b: {  	s25 =	rddreg [dreg:$0xb]  }
0x3c: {  	s26 =	rddreg [dreg:$0xd]  }
0x3d: {  	[sflag:s9] =	ssyncset.done $0x0;
	s28 =	rddreg [dreg:$0xc]  }
0x3e: {  	s17 =	rddreg [dreg:$0xf];
	[sflag:s9] =	ssyncadd.s32 $0xFFFFFB00  }
0x3f: {  	[tilespmem:s31], [sflag:$0x2] =	stream.indirect.gather [hbm4b:s4+s10], $0x20, s30, s10, $0xb8;
	[tilespmem:$0x14A00] =	vst v63  }
0x40: {  	s18 =	rddreg [dreg:$0xe]  }
0x41: {  	[tilespmem:s14], [sflag:$0x2] =	stream.indirect.gather [hbm4b:s4+s10], $0x20, s23, s10, $0xb8;
	[tilespmem:$0x14A00] =	vst v63  }
0x42: {  	s19 =	rddreg [dreg:$0x11]  }
0x43: {  	[tilespmem:s15], [sflag:$0x2] =	stream.indirect.gather [hbm4b:s4+s10], $0x20, s22, s10, $0xb8;
	[tilespmem:$0x14A00] =	vst v63  }
0x44: {  	s20 =	rddreg [dreg:$0x10]  }
0x45: {  	[tilespmem:s25], [sflag:$0x2] =	stream.indirect.gather [hbm4b:s4+s10], $0x20, s24, s10, $0xb8;
	[tilespmem:$0x14A00] =	vst v63  }
0x46: {  	s21 =	rddreg [dreg:$0x13]  }
0x47: {  	[tilespmem:s26], [sflag:$0x2] =	stream.indirect.gather [hbm4b:s4+s10], $0x20, s28, s10, $0xb8;
	[tilespmem:$0x14A00] =	vst v63  }
0x48: {  	s23 =	rddreg [dreg:$0x15]  }
0x49: {  	[tilespmem:s17], [sflag:$0x2] =	stream.indirect.gather [hbm4b:s4+s10], $0x20, s18, s10, $0xb8;
	[tilespmem:$0x14A00] =	vst v63  }
0x4a: {  	s22 =	rddreg [dreg:$0x12]  }
0x4b: {  	[tilespmem:s19], [sflag:$0x2] =	stream.indirect.gather [hbm4b:s4+s10], $0x20, s20, s10, $0xb8;
	[tilespmem:$0x14A00] =	vst v63  }
0x4c: {  	s24 =	rddreg [dreg:$0x14]  }
0x4d: {  	[tilespmem:s21], [sflag:$0x2] =	stream.indirect.gather [hbm4b:s4+s10], $0x20, s22, s10, $0xb8;
	[tilespmem:$0x14A00] =	vst v63  }
0x4e: {  	s25 =	rddreg [dreg:$0x17]  }
0x4f: {  	[tilespmem:s23], [sflag:$0x2] =	stream.indirect.gather [hbm4b:s4+s10], $0x20, s24, s10, $0xb8;
	[tilespmem:$0x14A00] =	vst v63  }
0x50: {  	s26 =	rddreg [dreg:$0x16]  }
0x51: {  	[tilespmem:s25], [sflag:$0x2] =	stream.indirect.gather [hbm4b:s4+s10], $0x20, s26, s10, $0xb8;
	[tilespmem:$0x14A00] =	vst v63  }
0x52: {  	_ =	swait.ge [sflag:s1], $0x1000  }
0x53: {  	[sflag:s1] =	ssyncset.done $0x0  }
0x54: {  	[sflag:s1] =	ssyncadd.s32 $0xFFFFF000  }
0x55: {  	_ =	swait.ge [sflag:s1], $0x1000  }
0x56: {  	[sflag:s1] =	ssyncset.done $0x0  }
0x57: {  	[sflag:s1] =	ssyncadd.s32 $0xFFFFF000  }
0x58: {  	_ =	swait.ge [sflag:s1], $0x1000  }
0x59: {  	[sflag:s1] =	ssyncset.done $0x0  }
0x5a: {  	[sflag:s1] =	ssyncadd.s32 $0xFFFFF000  }
0x5b: {  	_ =	swait.ge [sflag:s1], $0x1000  }
0x5c: {  	[sflag:s1] =	ssyncset.done $0x0  }
0x5d: {  	[sflag:s1] =	ssyncadd.s32 $0xFFFFF000  }
0x5e: {  	_ =	swait.ge [sflag:s1], $0x1000  }
0x5f: {  	[sflag:s1] =	ssyncset.done $0x0  }
0x60: {  	[sflag:s1] =	ssyncadd.s32 $0xFFFFF000  }
0x61: {  	_ =	swait.ge [sflag:s1], $0x1000  }
0x62: {  	[sflag:s1] =	ssyncset.done $0x0  }
0x63: {  	[sflag:s1] =	ssyncadd.s32 $0xFFFFF000  }
0x64: {  	_ =	swait.ge [sflag:s1], $0x1000  }
0x65: {  	[sflag:s1] =	ssyncset.done $0x0  }
0x66: {  	[sflag:s1] =	ssyncadd.s32 $0xFFFFF000  }
0x67: {  	_ =	swait.ge [sflag:s1], $0x1000  }
0x68: {  	[sflag:s1] =	ssyncset.done $0x0  }
0x69: {  	[sflag:s1] =	ssyncadd.s32 $0xFFFFF000  }
0x6a: {  	_ =	swait.ge [sflag:s1], $0x1000  }
0x6b: {  	[sflag:s1] =	ssyncset.done $0x0  }
0x6c: {  	[sflag:s1] =	ssyncadd.s32 $0xFFFFF000  }
0x6d: {  	_ =	swait.ge [sflag:s1], $0x1000  }
0x6e: {  	s28 =	rddreg [dreg:$0x4];
	[sflag:s1] =	ssyncset.done $0x0  }
0x6f: {  	[sflag:s1] =	ssyncadd.s32 $0xFFFFF000;
	s7 =	sadd.s32 $0x0, s28  }
0x70: {  	[hbm4b:s7+s3] =	stream.linear.scatter [tilespmem:s11], [sflag:$0x3], $0xA000, $0x38;
	[tilespmem:$0x14A00] =	vst v63  }
0x71: {  	p0 =	por $0x0, $0x0;
	_ =	swait.ge [sflag:s9], $0xA000  }
0x72: {  	s13 =	simm.s32 @!p0 $0x3;
	s7 =	sshrl.u32 @!p0 s16, $0x3;
	[sflag:s9] =	ssyncset.done $0x0  }
0x73: {  	s14 =	simm.s32 @!p0 $0x0;
	s7 =	sadd.s32 @!p0 s2, s7;
	[sflag:s9] =	ssyncadd.s32 $0xFFFF6000  }
0x74: {  	[tilespmem:s14], [sflag:$0x3] =	stream.linear.gather @!p0 [hbm4b:s7+s14], $0x500, $0x38;
	[tilespmem:$0x14A00] =	vst v63  }
0x75: {  	_ =	swait.ge @!p0 [sflag:s13], $0x500  }
0x76: {  	[sflag:s13] =	ssyncset.done @!p0 $0x0  }
0x77: {  	s7 =	simm.s32 @!p0 $0x80;
	[sflag:s13] =	ssyncadd.s32 @!p0 $0xFFFFFB00;
	s13 =	simm.s32 @!p0 $0xA00  }
0x78: {  	[tilespmem:s13], [sflag:$0x1] =	stream.indirect.gather @!p0 [hbm4b:s4+s7], $0x20, s14, s7, $0xb8;
	[tilespmem:$0x14A00] =	vst v63  }
0x79: {  	s13 =	simm.s32 @!p0 $0x1A00  }
0x7a: {  	[tilespmem:s13], [sflag:$0x1] =	stream.indirect.gather @!p0 [hbm4b:s4+s7], $0x20, s7, s7, $0xb8;
	[tilespmem:$0x14A00] =	vst v63  }
0x7b: {  	s14 =	simm.s32 @!p0 $0x2A00;
	s13 =	simm.s32 @!p0 $0x100  }
0x7c: {  	[tilespmem:s14], [sflag:$0x1] =	stream.indirect.gather @!p0 [hbm4b:s4+s7], $0x20, s13, s7, $0xb8;
	[tilespmem:$0x14A00] =	vst v63  }
0x7d: {  	s13 =	simm.s32 @!p0 $0x180;
	s14 =	simm.s32 @!p0 $0x3A00  }
0x7e: {  	[tilespmem:s14], [sflag:$0x1] =	stream.indirect.gather @!p0 [hbm4b:s4+s7], $0x20, s13, s7, $0xb8;
	[tilespmem:$0x14A00] =	vst v63  }
0x7f: {  	s13 =	simm.s32 @!p0 $0x200;
	s14 =	simm.s32 @!p0 $0x4A00  }
0x80: {  	[tilespmem:s14], [sflag:$0x1] =	stream.indirect.gather @!p0 [hbm4b:s4+s7], $0x20, s13, s7, $0xb8;
	[tilespmem:$0x14A00] =	vst v63  }
0x81: {  	s13 =	simm.s32 @!p0 $0x280;
	s14 =	simm.s32 @!p0 $0x5A00  }
0x82: {  	[tilespmem:s14], [sflag:$0x1] =	stream.indirect.gather @!p0 [hbm4b:s4+s7], $0x20, s13, s7, $0xb8;
	[tilespmem:$0x14A00] =	vst v63  }
0x83: {  	s13 =	simm.s32 @!p0 $0x300;
	s14 =	simm.s32 @!p0 $0x6A00  }
0x84: {  	[tilespmem:s14], [sflag:$0x1] =	stream.indirect.gather @!p0 [hbm4b:s4+s7], $0x20, s13, s7, $0xb8;
	[tilespmem:$0x14A00] =	vst v63  }
0x85: {  	s13 =	simm.s32 @!p0 $0x380;
	s14 =	simm.s32 @!p0 $0x7A00  }
0x86: {  	[tilespmem:s14], [sflag:$0x1] =	stream.indirect.gather @!p0 [hbm4b:s4+s7], $0x20, s13, s7, $0xb8;
	[tilespmem:$0x14A00] =	vst v63  }
0x87: {  	s13 =	simm.s32 @!p0 $0x400;
	s14 =	simm.s32 @!p0 $0x8A00  }
0x88: {  	[tilespmem:s14], [sflag:$0x1] =	stream.indirect.gather @!p0 [hbm4b:s4+s7], $0x20, s13, s7, $0xb8;
	[tilespmem:$0x14A00] =	vst v63  }
0x89: {  	s13 =	simm.s32 @!p0 $0x480;
	s14 =	simm.s32 @!p0 $0x9A00  }
0x8a: {  	[tilespmem:s14], [sflag:$0x1] =	stream.indirect.gather @!p0 [hbm4b:s4+s7], $0x20, s13, s7, $0xb8;
	[tilespmem:$0x14A00] =	vst v63  }
0x8b: {  	_ =	swait.ge [sflag:s0], $0x1000  }
0x8c: {  	[sflag:s0] =	ssyncset.done $0x0  }
0x8d: {  	[sflag:s0] =	ssyncadd.s32 $0xFFFFF000  }
0x8e: {  	_ =	swait.ge [sflag:s0], $0x1000  }
0x8f: {  	[sflag:s0] =	ssyncset.done $0x0  }
0x90: {  	[sflag:s0] =	ssyncadd.s32 $0xFFFFF000  }
0x91: {  	_ =	swait.ge [sflag:s0], $0x1000  }
0x92: {  	[sflag:s0] =	ssyncset.done $0x0  }
0x93: {  	[sflag:s0] =	ssyncadd.s32 $0xFFFFF000  }
0x94: {  	_ =	swait.ge [sflag:s0], $0x1000  }
0x95: {  	[sflag:s0] =	ssyncset.done $0x0  }
0x96: {  	[sflag:s0] =	ssyncadd.s32 $0xFFFFF000  }
0x97: {  	_ =	swait.ge [sflag:s0], $0x1000  }
0x98: {  	[sflag:s0] =	ssyncset.done $0x0  }
0x99: {  	[sflag:s0] =	ssyncadd.s32 $0xFFFFF000  }
0x9a: {  	_ =	swait.ge [sflag:s0], $0x1000  }
0x9b: {  	[sflag:s0] =	ssyncset.done $0x0  }
0x9c: {  	[sflag:s0] =	ssyncadd.s32 $0xFFFFF000  }
0x9d: {  	_ =	swait.ge [sflag:s0], $0x1000  }
0x9e: {  	[sflag:s0] =	ssyncset.done $0x0  }
0x9f: {  	[sflag:s0] =	ssyncadd.s32 $0xFFFFF000  }
0xa0: {  	_ =	swait.ge [sflag:s0], $0x1000  }
0xa1: {  	[sflag:s0] =	ssyncset.done $0x0  }
0xa2: {  	[sflag:s0] =	ssyncadd.s32 $0xFFFFF000  }
0xa3: {  	_ =	swait.ge [sflag:s0], $0x1000  }
0xa4: {  	s15 =	sadd.s32 $0x140, s8;
	s13 =	simm.s32 $0x2800;
	[sflag:s0] =	ssyncset.done $0x0  }
0xa5: {  	s7 =	smov.u32 s16;
	s14 =	simm.s32 $0x0;
	[sflag:s0] =	ssyncadd.s32 $0xFFFFF000  }
.LBB2_2:
0xa6: {  	_ =	swait.ge [sflag:s0], $0x1000  }
0xa7: {  	s18 =	rddreg [dreg:$0x5];
	[sflag:s0] =	ssyncset.done $0x0  }
0xa8: {  	[sflag:s0] =	ssyncadd.s32 $0xFFFFF000;
	s18 =	sadd.s32 s14, s18  }
0xa9: {  	[hbm4b:s18+s3] =	stream.linear.scatter [tilespmem:s31], [sflag:$0x3], $0xA000, $0x38;
	[tilespmem:$0x14A00] =	vst v63  }
0xaa: {  	_ =	swait.ge [sflag:s9], $0xA000  }
0xab: {  	[sflag:s9] =	ssyncset.done $0x0  }
0xac: {  	[sflag:s9] =	ssyncadd.s32 $0xFFFF6000  }
0xad: {  	[tilespmem:s30], [sflag:$0x3] =	stream.linear.gather [hbm4b:s15+s3], $0x500, $0x38;
	[tilespmem:$0x14A00] =	vst v63  }
0xae: {  	s17 =	smov.u32 s13;
	_ =	swait.ge [sflag:s9], $0x500  }
0xaf: {  	s14 =	smov.u32 s17;
	s17 =	rddreg [dreg:$0x17]  }
0xb0: {  	s18 =	rddreg [dreg:$0x15]  }
0xb1: {  	s19 =	rddreg [dreg:$0x13]  }
0xb2: {  	s20 =	rddreg [dreg:$0x11]  }
0xb3: {  	s21 =	rddreg [dreg:$0xf]  }
0xb4: {  	s22 =	rddreg [dreg:$0xd]  }
0xb5: {  	s23 =	rddreg [dreg:$0xa]  }
0xb6: {  	[sflag:s9] =	ssyncset.done $0x0;
	s24 =	rddreg [dreg:$0x8]  }
0xb7: {  	s25 =	rddreg [dreg:$0x6];
	[sflag:s9] =	ssyncadd.s32 $0xFFFFFB00  }
0xb8: {  	[tilespmem:s31], [sflag:$0x2] =	stream.indirect.gather [hbm4b:s4+s10], $0x20, s30, s10, $0xb8;
	[tilespmem:$0x14A00] =	vst v63  }
0xb9: {  	s26 =	rddreg [dreg:$0x7]  }
0xba: {  	[tilespmem:s26], [sflag:$0x2] =	stream.indirect.gather [hbm4b:s4+s10], $0x20, s25, s10, $0xb8;
	[tilespmem:$0x14A00] =	vst v63  }
0xbb: {  	s28 =	rddreg [dreg:$0x9]  }
0xbc: {  	[tilespmem:s28], [sflag:$0x2] =	stream.indirect.gather [hbm4b:s4+s10], $0x20, s24, s10, $0xb8;
	[tilespmem:$0x14A00] =	vst v63  }
0xbd: {  	s26 =	rddreg [dreg:$0xb]  }
0xbe: {  	[tilespmem:s26], [sflag:$0x2] =	stream.indirect.gather [hbm4b:s4+s10], $0x20, s23, s10, $0xb8;
	[tilespmem:$0x14A00] =	vst v63  }
0xbf: {  	s28 =	rddreg [dreg:$0xc]  }
0xc0: {  	[tilespmem:s22], [sflag:$0x2] =	stream.indirect.gather [hbm4b:s4+s10], $0x20, s28, s10, $0xb8;
	[tilespmem:$0x14A00] =	vst v63  }
0xc1: {  	s26 =	rddreg [dreg:$0xe]  }
0xc2: {  	[tilespmem:s21], [sflag:$0x2] =	stream.indirect.gather [hbm4b:s4+s10], $0x20, s26, s10, $0xb8;
	[tilespmem:$0x14A00] =	vst v63  }
0xc3: {  	s28 =	rddreg [dreg:$0x10]  }
0xc4: {  	[tilespmem:s20], [sflag:$0x2] =	stream.indirect.gather [hbm4b:s4+s10], $0x20, s28, s10, $0xb8;
	[tilespmem:$0x14A00] =	vst v63  }
0xc5: {  	s24 =	rddreg [dreg:$0x12]  }
0xc6: {  	[tilespmem:s19], [sflag:$0x2] =	stream.indirect.gather [hbm4b:s4+s10], $0x20, s24, s10, $0xb8;
	[tilespmem:$0x14A00] =	vst v63  }
0xc7: {  	s25 =	rddreg [dreg:$0x14]  }
0xc8: {  	[tilespmem:s18], [sflag:$0x2] =	stream.indirect.gather [hbm4b:s4+s10], $0x20, s25, s10, $0xb8;
	[tilespmem:$0x14A00] =	vst v63  }
0xc9: {  	s26 =	rddreg [dreg:$0x16]  }
0xca: {  	[tilespmem:s17], [sflag:$0x2] =	stream.indirect.gather [hbm4b:s4+s10], $0x20, s26, s10, $0xb8;
	[tilespmem:$0x14A00] =	vst v63  }
0xcb: {  	_ =	swait.ge [sflag:s1], $0x1000  }
0xcc: {  	[sflag:s1] =	ssyncset.done $0x0  }
0xcd: {  	[sflag:s1] =	ssyncadd.s32 $0xFFFFF000  }
0xce: {  	_ =	swait.ge [sflag:s1], $0x1000  }
0xcf: {  	[sflag:s1] =	ssyncset.done $0x0  }
0xd0: {  	[sflag:s1] =	ssyncadd.s32 $0xFFFFF000  }
0xd1: {  	_ =	swait.ge [sflag:s1], $0x1000  }
0xd2: {  	[sflag:s1] =	ssyncset.done $0x0  }
0xd3: {  	[sflag:s1] =	ssyncadd.s32 $0xFFFFF000  }
0xd4: {  	_ =	swait.ge [sflag:s1], $0x1000  }
0xd5: {  	[sflag:s1] =	ssyncset.done $0x0  }
0xd6: {  	[sflag:s1] =	ssyncadd.s32 $0xFFFFF000  }
0xd7: {  	_ =	swait.ge [sflag:s1], $0x1000  }
0xd8: {  	[sflag:s1] =	ssyncset.done $0x0  }
0xd9: {  	[sflag:s1] =	ssyncadd.s32 $0xFFFFF000  }
0xda: {  	_ =	swait.ge [sflag:s1], $0x1000  }
0xdb: {  	[sflag:s1] =	ssyncset.done $0x0  }
0xdc: {  	[sflag:s1] =	ssyncadd.s32 $0xFFFFF000  }
0xdd: {  	_ =	swait.ge [sflag:s1], $0x1000  }
0xde: {  	[sflag:s1] =	ssyncset.done $0x0  }
0xdf: {  	[sflag:s1] =	ssyncadd.s32 $0xFFFFF000  }
0xe0: {  	_ =	swait.ge [sflag:s1], $0x1000  }
0xe1: {  	[sflag:s1] =	ssyncset.done $0x0  }
0xe2: {  	[sflag:s1] =	ssyncadd.s32 $0xFFFFF000  }
0xe3: {  	_ =	swait.ge [sflag:s1], $0x1000  }
0xe4: {  	[sflag:s1] =	ssyncset.done $0x0  }
0xe5: {  	[sflag:s1] =	ssyncadd.s32 $0xFFFFF000  }
0xe6: {  	_ =	swait.ge [sflag:s1], $0x1000  }
0xe7: {  	s28 =	rddreg [dreg:$0x4];
	[sflag:s1] =	ssyncset.done $0x0  }
0xe8: {  	[sflag:s1] =	ssyncadd.s32 $0xFFFFF000;
	s17 =	sadd.s32 s14, s28  }
0xe9: {  	[hbm4b:s17+s3] =	stream.linear.scatter [tilespmem:s11], [sflag:$0x3], $0xA000, $0x38;
	[tilespmem:$0x14A00] =	vst v63  }
0xea: {  	s7 =	sadd.s32 $0xA00, s7;
	p1 =	seq.s32 s14, $0x16800;
	_ =	swait.ge [sflag:s9], $0xA000  }
0xeb: {  	s19 =	simm.s32 @!p1 $0x0;
	s17 =	sshrl.u32 @!p1 s7, $0x3;
	[sflag:s9] =	ssyncset.done $0x0  }
0xec: {  	s18 =	simm.s32 @!p1 $0x3;
	s17 =	sadd.s32 @!p1 s2, s17;
	[sflag:s9] =	ssyncadd.s32 $0xFFFF6000  }
0xed: {  	[tilespmem:s19], [sflag:$0x3] =	stream.linear.gather @!p1 [hbm4b:s17+s19], $0x500, $0x38;
	[tilespmem:$0x14A00] =	vst v63  }
0xee: {  	_ =	swait.ge @!p1 [sflag:s18], $0x500  }
0xef: {  	[sflag:s18] =	ssyncset.done @!p1 $0x0  }
0xf0: {  	s17 =	simm.s32 @!p1 $0x80;
	[sflag:s18] =	ssyncadd.s32 @!p1 $0xFFFFFB00;
	s18 =	simm.s32 @!p1 $0xA00  }
0xf1: {  	[tilespmem:s18], [sflag:$0x1] =	stream.indirect.gather @!p1 [hbm4b:s4+s17], $0x20, s19, s17, $0xb8;
	[tilespmem:$0x14A00] =	vst v63  }
0xf2: {  	s18 =	simm.s32 @!p1 $0x1A00  }
0xf3: {  	[tilespmem:s18], [sflag:$0x1] =	stream.indirect.gather @!p1 [hbm4b:s4+s17], $0x20, s17, s17, $0xb8;
	[tilespmem:$0x14A00] =	vst v63  }
0xf4: {  	s19 =	simm.s32 @!p1 $0x2A00;
	s18 =	simm.s32 @!p1 $0x100  }
0xf5: {  	[tilespmem:s19], [sflag:$0x1] =	stream.indirect.gather @!p1 [hbm4b:s4+s17], $0x20, s18, s17, $0xb8;
	[tilespmem:$0x14A00] =	vst v63  }
0xf6: {  	s18 =	simm.s32 @!p1 $0x180;
	s19 =	simm.s32 @!p1 $0x3A00  }
0xf7: {  	[tilespmem:s19], [sflag:$0x1] =	stream.indirect.gather @!p1 [hbm4b:s4+s17], $0x20, s18, s17, $0xb8;
	[tilespmem:$0x14A00] =	vst v63  }
0xf8: {  	s18 =	simm.s32 @!p1 $0x200;
	s19 =	simm.s32 @!p1 $0x4A00  }
0xf9: {  	[tilespmem:s19], [sflag:$0x1] =	stream.indirect.gather @!p1 [hbm4b:s4+s17], $0x20, s18, s17, $0xb8;
	[tilespmem:$0x14A00] =	vst v63  }
0xfa: {  	s18 =	simm.s32 @!p1 $0x280;
	s19 =	simm.s32 @!p1 $0x5A00  }
0xfb: {  	[tilespmem:s19], [sflag:$0x1] =	stream.indirect.gather @!p1 [hbm4b:s4+s17], $0x20, s18, s17, $0xb8;
	[tilespmem:$0x14A00] =	vst v63  }
0xfc: {  	s18 =	simm.s32 @!p1 $0x300;
	s19 =	simm.s32 @!p1 $0x6A00  }
0xfd: {  	[tilespmem:s19], [sflag:$0x1] =	stream.indirect.gather @!p1 [hbm4b:s4+s17], $0x20, s18, s17, $0xb8;
	[tilespmem:$0x14A00] =	vst v63  }
0xfe: {  	s18 =	simm.s32 @!p1 $0x380;
	s19 =	simm.s32 @!p1 $0x7A00  }
0xff: {  	[tilespmem:s19], [sflag:$0x1] =	stream.indirect.gather @!p1 [hbm4b:s4+s17], $0x20, s18, s17, $0xb8;
	[tilespmem:$0x14A00] =	vst v63  }
0x100: {  	s18 =	simm.s32 @!p1 $0x400;
	s19 =	simm.s32 @!p1 $0x8A00  }
0x101: {  	[tilespmem:s19], [sflag:$0x1] =	stream.indirect.gather @!p1 [hbm4b:s4+s17], $0x20, s18, s17, $0xb8;
	[tilespmem:$0x14A00] =	vst v63  }
0x102: {  	s18 =	simm.s32 @!p1 $0x480;
	s19 =	simm.s32 @!p1 $0x9A00  }
0x103: {  	[tilespmem:s19], [sflag:$0x1] =	stream.indirect.gather @!p1 [hbm4b:s4+s17], $0x20, s18, s17, $0xb8;
	[tilespmem:$0x14A00] =	vst v63  }
0x104: {  	_ =	swait.ge [sflag:s0], $0x1000  }
0x105: {  	[sflag:s0] =	ssyncset.done $0x0  }
0x106: {  	[sflag:s0] =	ssyncadd.s32 $0xFFFFF000  }
0x107: {  	_ =	swait.ge [sflag:s0], $0x1000  }
0x108: {  	[sflag:s0] =	ssyncset.done $0x0  }
0x109: {  	[sflag:s0] =	ssyncadd.s32 $0xFFFFF000  }
0x10a: {  	_ =	swait.ge [sflag:s0], $0x1000  }
0x10b: {  	[sflag:s0] =	ssyncset.done $0x0  }
0x10c: {  	[sflag:s0] =	ssyncadd.s32 $0xFFFFF000  }
0x10d: {  	_ =	swait.ge [sflag:s0], $0x1000  }
0x10e: {  	[sflag:s0] =	ssyncset.done $0x0  }
0x10f: {  	[sflag:s0] =	ssyncadd.s32 $0xFFFFF000  }
0x110: {  	_ =	swait.ge [sflag:s0], $0x1000  }
0x111: {  	[sflag:s0] =	ssyncset.done $0x0  }
0x112: {  	[sflag:s0] =	ssyncadd.s32 $0xFFFFF000  }
0x113: {  	_ =	swait.ge [sflag:s0], $0x1000  }
0x114: {  	[sflag:s0] =	ssyncset.done $0x0  }
0x115: {  	[sflag:s0] =	ssyncadd.s32 $0xFFFFF000  }
0x116: {  	_ =	swait.ge [sflag:s0], $0x1000  }
0x117: {  	[sflag:s0] =	ssyncset.done $0x0  }
0x118: {  	s13 =	sadd.s32 $0x2800, s13;
	[sflag:s0] =	ssyncadd.s32 $0xFFFFF000  }
0x119: {  	p0 =	sne.s32 s13, $0x19000;
	_ =	swait.ge [sflag:s0], $0x1000  }
.Ltmp0:
0x11a: {  	[sflag:s0] =	ssyncset.done $0x0;
	(pc) =	sbr.rel @p0 .LBB2_2-.Ltmp0, $4  }
0x11b: {  	[sflag:s0] =	ssyncadd.s32 $0xFFFFF000  }
0x11c: {  	_ =	swait.ge [sflag:s0], $0x1000  }
0x11d: {  	[sflag:s0] =	ssyncset.done $0x0  }
0x11e: {  	s15 =	sadd.s32 $0x140, s15;
	[sflag:s0] =	ssyncadd.s32 $0xFFFFF000  }
0x11f: {  	_ =	swait.ge [sflag:s0], $0x1000;
	s12 =	sadd.s32 $0x1, s12  }
0x120: {  	s7 =	rddreg [dreg:$0x5];
	[sflag:s0] =	ssyncset.done $0x0;
	p0 =	sne.s32 s12, s6  }
.Ltmp1:
0x121: {  	[sflag:s0] =	ssyncadd.s32 $0xFFFFF000;
	s7 =	sadd.s32 s14, s7;
	(pc) =	sbr.rel @p0 .LBB2_1-.Ltmp1, $4  }
0x122: {  	[hbm4b:s7+s3] =	stream.linear.scatter [tilespmem:s31], [sflag:$0x3], $0xA000, $0x38;
	[tilespmem:$0x14A00] =	vst v63  }
0x123: {  	_ =	swait.ge [sflag:s9], $0xA000  }
0x124: {  	[sflag:s9] =	ssyncset.done $0x0  }
0x125: {  	[sflag:s9] =	ssyncadd.s32 $0xFFFF6000  }
0x126: {  	_ =	sfence.sel $0x180000  }
0x127: {  	[bflag:$0x0] =	sbarrier.arrive $0xFFFF  }
0x128: {  	_ =	strace $0x90000047  }
0x129: {  	s0 =	stileid.u32;
	[bflag:$0x2] =	sbarrier.arrive $0xFFFF  }
0x12a: {  	p0 =	sne.s32 s0, $0x0;
	s0 =	rddreg [dreg:$0x3]  }
0x12b: {  	s0 =	sadd.s32 @!p0 $0x100000, s0  }
0x12c: {  	[sflag:s0] =	ssyncadd.tile.s32 @!p0 $0x1;
	_ =	shalt  }
.Lfunc_end2:
_tile_overlayer_lowered:
.L_overlay_start_2:
0x12d: {  	(tag) =	ssettag $0x2  }
0x12e: {  	s0 =	rddreg [dreg:$0x0];
	s2 =	stileid.u32  }
0x12f: {  	s1 =	rddreg [dreg:$0x1];
	p0 =	sne.s32 s2, $0x0  }
0x130: {  	s3 =	rddreg [dreg:$0x2];
	[bflag:$0x3] =	sbarrier.arrive $0xFFFF;
	s2 =	simm.s32 @!p0 $0x1C03  }
0x131: {  	[timem:s3], [sflag:s2] =	dma.local @!p0 [hbm:s0], s1  }
0x132: {  	s0 =	simm.s32 @!p0 $0x3  }
0x133: {  	_ =	swait.ge @!p0 [sflag:s0], s1  }
0x134: {  	s1 =	ssub.s32 @!p0 $0x0, s1;
	[sflag:s0] =	ssyncset.done @!p0 $0x0  }
0x135: {  	[sflag:s0] =	ssyncadd.s32 @!p0 s1  }
0x136: {  	[bflag:$0x3] =	sbarrier.arrive $0xFFFF  }
0x137: {  	_ =	shalt  }

// kernel: sparse-core-data-format-call.cloned.1.call-start
scs
called_computation_lowered:
.L_overlay_start_0:
0x0: {  	s2 =	sld [smem:$0x3FD9]  }
0x1: {  	s3 =	sld [smem:$0x3FFE];
	_ =	sdelay $0x1  }
0x2: {  	s1 =	srdreg.scid  }
0x3: {  	s0 =	sand.u32 $0x1, s1  }
0x4: {  	s18 =	sshll.u32 s0, $0xA;
	s2 =	sadd.s32 s3, s2  }
0x5: {  	s2 =	sadd.s32 s2, s18  }
0x6: {  	[smem:$0x3FC6] =	sst s2  }
0x7: {  	_ = 	snop  }
0x8: {  	s2 =	sld [smem:$0x3FD0];
	(tm) =	ssettm $0x1  }
0x9: {  	s19 =	sld [smem:$0x3FFB];
	_ =	sdelay $0x3  }
0xa: {  	_ =	strace s19  }
0xb: {  	s3 =	sld [smem:$0x3FFC];
	_ =	sdelay $0x3  }
0xc: {  	_ =	strace s3  }
0xd: {  	s3 =	sld [smem:$0x3FFD];
	_ =	sdelay $0x3  }
0xe: {  	_ =	strace s3  }
0xf: {  	_ =	strace $0x8FFFFFFF  }
0x10: {  	s20 =	sld [smem:$0x3FDB];
	_ =	sdelay $0x1  }
0x11: {  	s4 =	simm.s32 $_scs_section_size  }
0x12: {  	s5 =	simm.s32 $_size__tile_overlayer_lowered;
	s6 =	simm.s32 $_tile_overlayer_lowered  }
0x13: {  	s23 =	simm.s32 $0x1BFF;
	s22 =	sshll.u32 s6, $0x1;
	s3 =	sadd.s32 s4, s20  }
0x14: {  	s7 =	simm.s32 $0x0;
	s21 =	sshll.u32 s5, $0x1;
	s5 =	sadd.s32 s22, s3  }
0x15: {  	[timem:s7], [sflag:s23] =	dma.local [hbm:s5], s21  }
0x16: {  	_ =	swait.ge [sflag:s23], s21  }
0x17: {  	s4 =	ssub.s32 $0x0, s21;
	[sflag:s23] =	ssyncset.done $0x0  }
0x18: {  	[sflag:s23] =	ssyncadd.s32 s4;
	_ =	sdelay $0x1  }
0x19: {  	s24 =	simm.s32 $0x1B8B  }
0x1a: {  	_ =	swait.ge [sflag:s24], $0x1  }
0x1b: {  	[sflag:s24] =	ssyncset.done $0x0  }
0x1c: {  	s26 =	simm.s32 $0x1B8E;
	s25 =	sld [smem:$0x3FFE];
	[sflag:s24] =	ssyncadd.s32 $0xFFFFFFFF  }
0x1d: {  	s27 =	simm.s32 $execute0_lowered;
	[smem:$0x3FD2] =	sst s26  }
0x1e: {  	s5 =	sshll.u32 s27, $0x1;
	_ =	strace $0x80000049;
	[dreg:$0x1] =	wrdreg $0xFFFFFFFF  }
0x1f: {  	s28 =	simm.s32 $_size_execute0_lowered;
	s3 =	sadd.s32 s3, s5;
	[dreg:$0x0] =	wrdreg $0x0  }
0x20: {  	s5 =	sshll.u32 s28, $0x1;
	[dreg:$0x2] =	wrdreg s3  }
0x21: {  	[dreg:$0x3] =	wrdreg s5  }
0x22: {  	[dreg:$0x4] =	wrdreg $0xC0  }
0x23: {  	_ =	task [dreg:s7], $0x5FFFF  }
0x24: {  	[dreg:$0x1] =	wrdreg $0xFFFFFFFF  }
0x25: {  	[dreg:$0x0] =	wrdreg $0x60  }
0x26: {  	[dreg:$0x2] =	wrdreg s25  }
0x27: {  	[dreg:$0x3] =	wrdreg s2  }
0x28: {  	[dreg:$0x4] =	wrdreg $0x9  }
0x29: {  	_ =	task.clear_ibuf [dreg:s7], $0x5FFFF;
	_ =	strace $0x90000049  }
0x2a: {  	s29 =	simm.s32 $0x9;
	_ =	strace $0x8000004B  }
0x2b: {  	_ =	swait.ge [sflag:s29], $0x1  }
0x2c: {  	[sflag:s29] =	ssyncadd.s32 $0xFFFFFFFF  }
0x2d: {  	_ =	strace $0x9000004B  }
0x2e: {  	_ =	sfence  }
0x2f: {  	s30 =	sld [smem:$0x0];
	_ =	sdelay $0x2  }
0x30: {  	s31 =	sshll.u32 s1, $0xD;
	s1 =	sshrl.u32 s1, $0x2  }
0x31: {  	s3 =	sand.u32 $0x4000, s31;
	s1 =	sadd.s32 s1, s30  }
0x32: {  	s0 =	sor.u32 s3, s0;
	s1 =	sshll.u32 s1, $0x11  }
0x33: {  	s0 =	sor.u32 s1, s0  }
0x34: {  	s0 =	sadd.s32 $0x8F2B, s0  }
0x35: {  	[sflag:s0] =	ssyncadd.remote.s32 $0x1  }
0x36: {  	_ =	sfence.sel $0xFFFF  }
0x37: {  	[dreg:$0x0] =	wrdreg $0xFFFFFFFF;
	(pc) =	sbr.abs _section_cstart, $3  }
0x38: {  	[dreg:$0x1] =	wrdreg $0xFFFFFFFF  }
0x39: {  	_ =	task.clear_ibuf [dreg:s7], $0x2FFFF;
	_ =	strace $0x9FFFFFFF  }
0x3a: {  	(tm) =	ssettm $0x7FFFFFFF  }
0x3b: {  	_ =	shalt  }
tec
execute0_lowered:
.L_overlay_start_1:
0x0: {  	(tag) =	ssettag $0x1  }
0x1: {  	s0 =	srdreg.scid  }
0x2: {  	s1 =	sshll.u32 s0, $0x4  }
0x3: {  	s4 =	rddreg [dreg:$0x0];
	s0 =	stileid.u32;
	s1 =	sand.u32 $0x10, s1  }
0x4: {  	s2 =	rddreg [dreg:$0x1];
	s7 =	simm.s32 $0x1;
	s1 =	sor.u32 s0, s1  }
0x5: {  	s8 =	simm.s32 $0x2;
	s11 =	simm.s32 $0x0;
	s3 =	sshll.u32 s1, $0x7  }
0x6: {  	s10 =	simm.s32 $0x0;
	s4 =	sadd.s32 $0x800, s4;
	s6 =	ssub.s32 $0xC8000, s3  }
.Ltmp0:
0x7: {  	s1 =	rddreg [dreg:$0x2];
	s5 =	sand.u32 $0xF80, s6;
	(pc) =	sbr.rel .LBB1_1-.Ltmp0, $4  }
0x8: {  	_ =	strace $0x8000004A;
	s9 =	smov.u32 s3;
	p0 =	sne.s32 s5, $0x0  }
0x9: {  	s6 =	sshrl.u32 s6, $0xC;
	s5 =	simm.s32 $0x1;
	s7 =	simm.s32 @!p0 $0x0  }
0xa: {  	[sflag:s5] =	ssyncpa.u1 $0x0;
	p0 =	por $0x0, $0x0;
	s6 =	sadd.s32 s7, s6  }
0xb: {  	[sflag:s8] =	ssyncpa.u1 $0x0;
	s8 =	simm.s32 $0x640000;
	s7 =	sadd.s32 $0x1, s6  }
.LBB1_4:
0xc: {  	s14 =	sshll.u32 s11, $0x3  }
0xd: {  	s30 =	sand.u32 $0x7F, s11;
	s15 =	sand.u32 $0xFFFFFC00, s14  }
0xe: {  	s11 =	sor.u32 s30, s15  }
0xf: {  	s15 =	smulhi.u32 $0x51EB851F, s11  }
0x10: {  	s14 =	smulhi.u32 $0x51EB851F, s14  }
0x11: {  	s15 =	sshrl.u32 s15, $0x12  }
0x12: {  	s14 =	sshrl.u32 s14, $0x12;
	s15 =	smul.u32 $0xC8000, s15  }
0x13: {  	s14 =	sand.u32 $0x1F, s14  }
0x14: {  	s14 =	smul.u32 $0x19000, s14;
	s11 =	ssub.s32 s11, s15  }
0x15: {  	s15 =	sand.u32 $0x7, s11  }
0x16: {  	s14 =	sadd.s32 s2, s14;
	s11 =	sshrl.u32 s11, $0x3;
	s15 =	sshll.u32 s15, $0x12  }
0x17: {  	[tilespmem:s13+$0x0 ss:$0x81] =	vst.msk $0xffff, v0;
	s11 =	sadd.s32 s11, s14;
	s31 =	sor.u32 $0x400, s15  }
0x18: {  	[hbm4b:s11+s31] =	stream.strided.scatter [tilespmem:s12], [sflag:$0x2], $0x1000, s8, s31, $0x20;
	[tilespmem:$0x4040] =	vst v63  }
.LBB1_5:
0x19: {  	s13 =	sadd.s32 $0x1000, s9  }
0x1a: {  	p2 =	sgt.s32 s13, $0xC7FFF  }
0x1b: {  	s13 =	smov.u32 @p2 s3;
	p2 =	sne.s32 s10, s7  }
.Ltmp1:
0x1c: {  	p1 =	slt.u32 s10, $0x2;
	(pc) =	sbr.rel @!p2 .LBB1_6-.Ltmp1, $4  }
0x1d: {  	s12 =	simm.s32 @!p1 $0x2  }
0x1e: {  	s14 =	sadd.s32 $0x1, s10;
	_ =	swait.ge @!p1 [sflag:s12], $0x1000  }
0x1f: {  	s11 =	smov.u32 s9;
	p0 =	por !p0, !p0;
	[sflag:s12] =	ssyncset.done @!p1 $0x0  }
0x20: {  	s10 =	smov.u32 s14;
	s9 =	smov.u32 s13;
	[sflag:s12] =	ssyncadd.s32 @!p1 $0xFFFFF000  }
.LBB1_1:
0x21: {  	p1 =	sge.u32 s10, s6  }
0x22: {  	s12 =	sand.u32 @!p1 $0x1FFFFFF, s9  }
0x23: {  	s13 =	smulhi.u32 @!p1 $0x147AE15, s12;
	_ =	sdelay $0x1  }
0x24: {  	s13 =	sshrl.u32 @!p1 s13, $0xC  }
0x25: {  	s13 =	smul.u32 @!p1 $0xC8000, s13;
	_ =	sdelay $0x1  }
0x26: {  	s31 =	sadd.s32 $0xFFFFFFFF, s10;
	s14 =	sxor.u32 @!p1 $0xFFFFFFFF, s10;
	s12 =	ssub.s32 @!p1 s12, s13  }
0x27: {  	s15 =	simm.s32 @!p1 $0x80;
	s14 =	sshll.u32 @!p1 s14, $0xC;
	s12 =	sshll.u32 @!p1 s12, $0x4  }
0x28: {  	s13 =	sand.u32 @!p1 $0x1000, s14;
	s14 =	simm.s32 @!p1 $0x20;
	s12 =	sadd.s32 @!p1 s4, s12  }
0x29: {  	[tilespmem:s13], [sflag:$0x1] =	stream.strided.gather @!p1 [hbm4b:s12+s14], $0x1000, s15, s14, $0x38;
	[tilespmem:$0x4040] =	vst v63  }
0x2a: {  	p1 =	sge.u32 s31, s6  }
.Ltmp2:
0x2b: {  	_ = 	snop;
	(pc) =	sbr.rel @p1 .LBB1_5-.Ltmp2, $1  }
0x2c: {  	_ =	sdelay $0x3  }
0x2d: {  	s12 =	simm.s32 $0x1  }
0x2e: {  	_ =	swait.ge [sflag:s5], $0x1000;
	s12 =	simm.s32 @!p0 $0x0  }
0x2f: {  	[sflag:s5] =	ssyncset.done $0x0;
	s13 =	sshll.u32 s12, $0xC  }
0x30: {  	[sflag:s5] =	ssyncadd.s32 $0xFFFFF000;
	s16 =	sor.u32 $0x10, s13  }
0x31: {  	s12 =	smul.u32 $0x4080, s12;
	v1 =	vld [tilespmem:s16+$0x0]  }
0x32: {  	s30 =	sand.u32 $0x1, s10;
	v0 =	vld [tilespmem:s16+$0xFFFFFFF0]  }
0x33: {  	s13 =	smul.u32 $0x4080, s30;
	s12 =	sshrl.u32 s12, $0x2  }
0x34: {  	s14 =	sor.u32 $0x2000, s12  }
0x35: {  	s31 =	sshrl.u32 s13, $0x2;
	s13 =	sadd.s32 $0x0, s14  }
0x36: {  	s15 =	simm.s32 $0x4;
	s16 =	sadd.s32 $0x20, s16;
	s12 =	sor.u32 $0x2000, s31;
	[tilespmem:s13+$0x810 ss:$0x81] =	vst.msk $0xffff, v1  }
.LBB1_3:
0x37: {  	v1 =	vld [tilespmem:s16+$0x0];
	p1 =	sne.s32 s15, $0x1FC;
	[tilespmem:s13+$0x0 ss:$0x81] =	vst.msk $0xffff, v0;
	s13 =	smov.u32 s15;
	s15 =	sadd.s32 $0x4, s15  }
.Ltmp3:
0x38: {  	v0 =	vld [tilespmem:s16+$0xFFFFFFF0];
	(pc) =	sbr.rel @p1 .LBB1_3-.Ltmp3, $4  }
0x39: {  	_ = 	snop  }
0x3a: {  	s13 =	sshra.s32 s13, $0x2  }
0x3b: {  	s13 =	sadd.s32 s13, s14  }
0x3c: {  	s16 =	sadd.s32 $0x20, s16;
	[tilespmem:s13+$0x810 ss:$0x81] =	vst.msk $0xffff, v1  }
.Ltmp4:
0x3d: {  	_ = 	snop;
	(pc) =	sbr.rel .LBB1_4-.Ltmp4, $1  }
0x3e: {  	_ =	sdelay $0x3  }
.LBB1_6:
0x3f: {  	_ =	sfence.sel $0x180000  }
0x40: {  	s2 =	simm.s32 $0x1;
	[bflag:$0x0] =	sbarrier.arrive $0xFFFF  }
0x41: {  	s31 =	simm.s32 $0x2;
	[sflag:s2] =	ssyncpa.u1 $0x1  }
0x42: {  	[sflag:s31] =	ssyncpa.u1 $0x1  }
0x43: {  	p0 =	sne.s32 s0, $0x0;
	_ =	strace $0x9000004A  }
0x44: {  	s0 =	sadd.s32 @!p0 $0x100000, s1;
	[bflag:$0x2] =	sbarrier.arrive $0xFFFF  }
0x45: {  	[sflag:s0] =	ssyncadd.tile.s32 @!p0 $0x1;
	_ =	shalt  }
.Lfunc_end1:
_tile_overlayer_lowered:
.L_overlay_start_2:
0x46: {  	(tag) =	ssettag $0x2  }
0x47: {  	s0 =	rddreg [dreg:$0x0];
	s2 =	stileid.u32  }
0x48: {  	s1 =	rddreg [dreg:$0x1];
	p0 =	sne.s32 s2, $0x0  }
0x49: {  	s3 =	rddreg [dreg:$0x2];
	[bflag:$0x3] =	sbarrier.arrive $0xFFFF;
	s2 =	simm.s32 @!p0 $0x1C01  }
0x4a: {  	[timem:s3], [sflag:s2] =	dma.local @!p0 [hbm:s0], s1  }
0x4b: {  	s0 =	simm.s32 @!p0 $0x1  }
0x4c: {  	_ =	swait.ge @!p0 [sflag:s0], s1  }
0x4d: {  	s1 =	ssub.s32 @!p0 $0x0, s1;
	[sflag:s0] =	ssyncset.done @!p0 $0x0  }
0x4e: {  	[sflag:s0] =	ssyncadd.s32 @!p0 s1  }
0x4f: {  	[bflag:$0x3] =	sbarrier.arrive $0xFFFF  }
0x50: {  	_ =	shalt  }

</sc_bundles>
